<compile_context>
chip_gen: v7x
topology: tpu7x:2x2x1
jax: 0.10.2.dev20260603
libtpu: 0.0.44.dev20260713+nightly
codegen_flags: <defaults>
</compile_context>

<pallas_src>
import jax
import jax.numpy as jnp
from jax import lax
from jax.experimental import pallas as pl
from jax.experimental.pallas import tpu as pltpu
from jax.experimental.pallas import tpu_sc as plsc

N = 100000
NREL = 17
B = 10000
S = 10
D = 128
L = B * S

NC = 2
NS = 16
NW = NC * NS
DPW = D // NW
WPT = DPW * L
RPT = WPT // 128
BLK = 32
NFULL = WPT // 4096
TAILG = (WPT - NFULL * 4096) // 16
TAILW = WPT - NFULL * 4096
NBLK = NFULL + 1
IRP = NBLK * BLK
NAL = (N // 128) * 128
SPLITS = {1: (24, 106), 2: (48, 212), 3: (73, 62)}


def _p1_body(w_hbm, side_hbm, pk_hbm, val_hbm, table_v, i0, i1, o0, o1,
             si0, si1, so0, so1):
    wid = lax.axis_index("s") * NC + lax.axis_index("c")
    m17 = jnp.full((16,), 0x1FFFF, jnp.int32)
    roff = jnp.full((16,), N, jnp.int32)
    wbase = wid * WPT

    def stage_table(k):
        dd = wid * DPW + k
        pltpu.sync_copy(w_hbm.at[dd, pl.ds(0, NAL)], table_v.at[pl.ds(0, NAL)])
        pltpu.sync_copy(side_hbm.at[dd], table_v.at[pl.ds(NAL, 256)])

    def idx_src(c):
        return pk_hbm.at[pl.ds(c * 4096, 4096)]

    stage_table(0)
    pltpu.async_copy(idx_src(0), i0, si0)
    pltpu.async_copy(idx_src(1), i1, si1)

    bufs = ((i0, o0, si0, so0), (i1, o1, si1, so1))

    def super_fn(h, carry):
        for par, (ibuf, obuf, sin, sout) in enumerate(bufs):
            c = 2 * h + par
            pltpu.make_async_copy(idx_src(c), ibuf, sin).wait()

            @pl.when(h > 0)
            def _():
                pltpu.make_async_copy(
                    obuf, val_hbm.at[pl.ds(wbase + (c - 2) * 4096, 4096)], sout
                ).wait()

            def gather16(g):
                sl = pl.ds(g * 16, 16)
                pk = ibuf[sl]
                n = lax.bitwise_and(pk, m17)
                vn = plsc.load_gather(table_v, [n])
                vr = plsc.load_gather(
                    table_v, [lax.shift_right_logical(pk, 17) + roff]
                )
                obuf[sl] = vn + vr

            def row_fn(r, carry2):
                for gg in range(16):
                    gather16(r * 16 + gg)
                return carry2

            def grp_fn(g, carry2):
                gather16(g)
                return carry2

            lax.fori_loop(0, BLK // 2, row_fn, 0)
            for k, (bc, bg) in SPLITS.items():
                @pl.when(c == bc)
                def _(k=k):
                    stage_table(k)
            redo = jnp.int32(256)
            for k, (bc, bg) in SPLITS.items():
                redo = jnp.where(c == bc, bg, redo)
            lax.fori_loop(redo, 256, grp_fn, 0)

            @pl.when(c < NBLK - 1)
            def _():
                pltpu.async_copy(
                    obuf, val_hbm.at[pl.ds(wbase + c * 4096, 4096)], sout
                )

            @pl.when(c == NBLK - 1)
            def _():
                pltpu.async_copy(
                    obuf.at[pl.ds(0, TAILW)],
                    val_hbm.at[pl.ds(wbase + c * 4096, TAILW)], sout
                )

            @pl.when(c + 2 < NBLK)
            def _():
                pltpu.async_copy(idx_src(c + 2), ibuf, sin)

        return carry

    lax.fori_loop(0, NBLK // 2, super_fn, 0)
    pltpu.make_async_copy(
        o0, val_hbm.at[pl.ds(wbase + (NBLK - 2) * 4096, 4096)], so0
    ).wait()
    pltpu.make_async_copy(
        o1.at[pl.ds(0, TAILW)],
        val_hbm.at[pl.ds(wbase + (NBLK - 1) * 4096, TAILW)], so1
    ).wait()


def _p2_body(val_ref, out_ref):
    v = val_ref[...]
    bs = v.shape[0] // S
    r = v.reshape(bs, S, D)
    out_ref[...] = jnp.maximum(jnp.sum(r, axis=1) * jnp.float32(1.0 / S), 0.0)


@jax.jit
def kernel(sampled_neighbors, sampled_relations, weight, relation_weight):
    nf = sampled_neighbors.reshape(-1).astype(jnp.int32)
    rf = sampled_relations.reshape(-1).astype(jnp.int32)
    pk = nf | (rf << 17)
    pk = jnp.concatenate([pk, pk, pk, pk])
    pk = jnp.pad(pk, (0, IRP * 128 - WPT))
    side = jnp.concatenate(
        [weight[:, NAL:], relation_weight,
         jnp.zeros((D, 256 - 32 - NREL), jnp.float32)], axis=1)

    mesh = plsc.VectorSubcoreMesh(
        core_axis_name="c", subcore_axis_name="s", num_cores=NC, num_subcores=NS
    )
    val = pl.kernel(
        _p1_body,
        out_type=jax.ShapeDtypeStruct((B * S * D,), jnp.float32),
        mesh=mesh,
        scratch_types=[
            pltpu.VMEM((N + 256 - 32,), jnp.float32),
            pltpu.VMEM((4096,), jnp.int32),
            pltpu.VMEM((4096,), jnp.int32),
            pltpu.VMEM((4096,), jnp.float32),
            pltpu.VMEM((4096,), jnp.float32),
            pltpu.SemaphoreType.DMA,
            pltpu.SemaphoreType.DMA,
            pltpu.SemaphoreType.DMA,
            pltpu.SemaphoreType.DMA,
        ],
        compiler_params=pltpu.CompilerParams(needs_layout_passes=False),
    )(weight, side, pk)

    bs = 2000
    out = pl.pallas_call(
        _p2_body,
        out_shape=jax.ShapeDtypeStruct((B, D), jnp.float32),
        grid=(B // bs,),
        in_specs=[pl.BlockSpec((bs * S, D), lambda i: (i, 0))],
        out_specs=pl.BlockSpec((bs, D), lambda i: (i, 0)),
    )(val.reshape(B * S, D))
    return out

# --- scband reference (transcript-rebuilt; emitter-appended) ---
"""Pipeline reference for scband-additive-relational-graph-convolution-5909875000114 (READ-ONLY COPY).

The authoritative reference and input builder live on the scoring server;
editing this copy changes nothing except your own understanding.
"""

import jax, jax.numpy as jnp
import numpy as np

NUM_NODES = 100000
NUM_REL = 16
B = 10000
S = 10
D = 128


def setup_inputs(seed: int = 0) -> dict:
    key = jax.random.key(seed)
    k1, k2, k3, k4 = jax.random.split(key, 4)
    # The torch module samples neighbors/relations from adjacency via numpy RNG inside
    # forward(). For a deterministic reference we materialize the sampled index arrays
    # directly (uniform over nodes / relations, matching a dense random graph).
    sampled_neighbors = jax.random.randint(k1, (B, S), 0, NUM_NODES)
    # relation id NUM_REL corresponds to the self-connection relation (-1 in torch,
    # which negative-indexes the last column of relation_weight)
    sampled_relations = jax.random.randint(k2, (B, S), 0, NUM_REL + 1)
    # learned parameters (xavier-uniform-like scale)
    bound_w = float(np.sqrt(6.0 / (D + NUM_NODES)))
    weight = jax.random.uniform(k3, (D, NUM_NODES), jnp.float32, -bound_w, bound_w)
    bound_r = float(np.sqrt(6.0 / (D + NUM_REL + 1)))
    relation_weight = jax.random.uniform(k4, (D, NUM_REL + 1), jnp.float32, -bound_r, bound_r)
    return {
        "sampled_neighbors": sampled_neighbors,
        "sampled_relations": sampled_relations,
        "weight": weight,
        "relation_weight": relation_weight,
    }


def reference(sampled_neighbors, sampled_relations, weight, relation_weight):
    b, s = sampled_neighbors.shape
    # in_features_func is None branch: neighbor embeddings gathered as weight columns
    neighbor_embeddings = jnp.take(weight, sampled_neighbors.reshape(-1), axis=1)  # [D, B*S]
    # faithful to torch: .view(B, S, -1) on the [D, B*S] tensor (row-major reshape)
    neighbor_embeddings = neighbor_embeddings.reshape(b, s, -1)  # [B, S, D]
    aggregated_neighbor_embeddings = neighbor_embeddings.mean(axis=1)  # [B, D]
    relation_embeddings = jnp.take(relation_weight, sampled_relations.reshape(-1), axis=1)  # [D, B*S]
    relation_embeddings = relation_embeddings.reshape(b, s, -1)  # [B, S, D]
    aggregated_relation_embeddings = relation_embeddings.mean(axis=1)  # [B, D]
    output_embeddings = aggregated_neighbor_embeddings + aggregated_relation_embeddings
    return jax.nn.relu(output_embeddings)

if __name__ == "__main__":
    import jax
    _d = setup_inputs()
    print(jax.jit(kernel)(*tuple(_d.values())))

</pallas_src>

<mosaic_0001>
#map = affine_map<(d0, d1) -> (0, 0)>
#map1 = affine_map<(d0, d1) -> (0)>
module attributes {stable_mosaic.version = 14 : i64} {
  func.func @_p1_body(%arg0: i32, %arg1: i32, %arg2: memref<128x100000xf32, #tpu.memory_space<hbm>>, %arg3: memref<128x256xf32, #tpu.memory_space<hbm>>, %arg4: memref<401408xi32, #tpu.memory_space<hbm>>, %arg5: memref<12800000xf32, #tpu.memory_space<hbm>>, %arg6: memref<100224xf32, #tpu.memory_space<vmem>>, %arg7: memref<4096xi32, #tpu.memory_space<vmem>>, %arg8: memref<4096xi32, #tpu.memory_space<vmem>>, %arg9: memref<4096xf32, #tpu.memory_space<vmem>>, %arg10: memref<4096xf32, #tpu.memory_space<vmem>>, %arg11: memref<!tpu.dma_semaphore, #tpu.memory_space<semaphore_mem>>, %arg12: memref<!tpu.dma_semaphore, #tpu.memory_space<semaphore_mem>>, %arg13: memref<!tpu.dma_semaphore, #tpu.memory_space<semaphore_mem>>, %arg14: memref<!tpu.dma_semaphore, #tpu.memory_space<semaphore_mem>>) attributes {dimension_semantics = [#tpu.dimension_semantics<core_parallel>, #tpu.dimension_semantics<subcore_parallel>], iteration_bounds = array<i64: 2, 16>, scalar_prefetch = 0 : i64, scratch_operands = 9 : i64, tpu.core_type = #tpu.core_type<sc_vector_subcore>, window_params = [{transform_indices = #map}, {transform_indices = #map}, {transform_indices = #map1}, {transform_indices = #map1}]} {
    %mul3A = arith.constant 2 : i32
    %mul3A_0 = arith.muli %arg1, %mul3A : i32
    %add3A = arith.addi %mul3A_0, %arg0 : i32
    %broadcast_in_dim3A = arith.constant 131071 : i32
    %broadcast_in_dim3A_1 = vector.broadcast %broadcast_in_dim3A : i32 to vector<16xi32>
    %broadcast_in_dim3A_2 = arith.constant 100000 : i32
    %broadcast_in_dim3A_3 = vector.broadcast %broadcast_in_dim3A_2 : i32 to vector<16xi32>
    %mul3A_4 = arith.constant 400000 : i32
    %mul3A_5 = arith.muli %add3A, %mul3A_4 : i32
    %mul3A_6 = arith.constant 4 : i32
    %mul3A_7 = arith.muli %add3A, %mul3A_6 : i32
    %add3A_8 = arith.constant 0 : i32
    %add3A_9 = arith.addi %mul3A_7, %add3A_8 : i32
    "tpu.region"() ({
      %run_scoped3A = tpu.sem_alloc : memref<!tpu.dma_semaphore, #tpu.memory_space<semaphore_mem>>
      %dma_start3A_33 = arith.constant 0 : i32
      %dma_start3A_34 = tpu.memref_slice %arg6[%dma_start3A_33] : memref<100224xf32, #tpu.memory_space<vmem>> -> memref<99968xf32, #tpu.memory_space<vmem>>
      %dma_start3A_35 = arith.constant 0 : i32
      %dma_start3A_36 = tpu.memref_slice %arg2[%add3A_9, %dma_start3A_35] : memref<128x100000xf32, #tpu.memory_space<hbm>> -> memref<1x99968xf32, #tpu.memory_space<hbm>>
      %dma_start3A_37 = tpu.memref_squeeze %dma_start3A_36 : memref<1x99968xf32, #tpu.memory_space<hbm>> -> memref<99968xf32, #tpu.memory_space<hbm>>
      %dma_start3A_38 = arith.constant 0 : i32
      %dma_start3A_39 = tpu.memref_slice %arg6[%dma_start3A_38] : memref<100224xf32, #tpu.memory_space<vmem>> -> memref<99968xf32, #tpu.memory_space<vmem>>
      %dma_start3A_40 = arith.constant 0 : i32
      %dma_start3A_41 = tpu.memref_slice %arg2[%add3A_9, %dma_start3A_40] : memref<128x100000xf32, #tpu.memory_space<hbm>> -> memref<1x99968xf32, #tpu.memory_space<hbm>>
      %dma_start3A_42 = tpu.memref_squeeze %dma_start3A_41 : memref<1x99968xf32, #tpu.memory_space<hbm>> -> memref<99968xf32, #tpu.memory_space<hbm>>
      tpu.enqueue_dma source(%dma_start3A_42 : memref<99968xf32, #tpu.memory_space<hbm>>) target(%dma_start3A_39 : memref<99968xf32, #tpu.memory_space<vmem>>) target_semaphore(%run_scoped3A : memref<!tpu.dma_semaphore, #tpu.memory_space<semaphore_mem>>)
      %dma_wait3A_43 = arith.constant 0 : i32
      %dma_wait3A_44 = tpu.memref_slice %arg6[%dma_wait3A_43] : memref<100224xf32, #tpu.memory_space<vmem>> -> memref<99968xf32, #tpu.memory_space<vmem>>
      %dma_wait3A_45 = arith.constant 0 : i32
      %dma_wait3A_46 = tpu.memref_slice %arg2[%add3A_9, %dma_wait3A_45] : memref<128x100000xf32, #tpu.memory_space<hbm>> -> memref<1x99968xf32, #tpu.memory_space<hbm>>
      %dma_wait3A_47 = tpu.memref_squeeze %dma_wait3A_46 : memref<1x99968xf32, #tpu.memory_space<hbm>> -> memref<99968xf32, #tpu.memory_space<hbm>>
      %dma_wait3A_48 = arith.constant 0 : i32
      %dma_wait3A_49 = tpu.memref_slice %arg6[%dma_wait3A_48] : memref<100224xf32, #tpu.memory_space<vmem>> -> memref<99968xf32, #tpu.memory_space<vmem>>
      %dma_wait3A_50 = arith.constant 0 : i32
      %dma_wait3A_51 = tpu.memref_slice %arg2[%add3A_9, %dma_wait3A_50] : memref<128x100000xf32, #tpu.memory_space<hbm>> -> memref<1x99968xf32, #tpu.memory_space<hbm>>
      %dma_wait3A_52 = tpu.memref_squeeze %dma_wait3A_51 : memref<1x99968xf32, #tpu.memory_space<hbm>> -> memref<99968xf32, #tpu.memory_space<hbm>>
      tpu.wait_dma2 semaphore(%run_scoped3A : memref<!tpu.dma_semaphore, #tpu.memory_space<semaphore_mem>>) src(%dma_wait3A_52 : memref<99968xf32, #tpu.memory_space<hbm>>) dst(%dma_wait3A_49 : memref<99968xf32, #tpu.memory_space<vmem>>)
      tpu.yield
    }) : () -> ()
    "tpu.region"() ({
      %run_scoped3A = tpu.sem_alloc : memref<!tpu.dma_semaphore, #tpu.memory_space<semaphore_mem>>
      %dma_start3A_33 = arith.constant 99968 : i32
      %dma_start3A_34 = tpu.memref_slice %arg6[%dma_start3A_33] : memref<100224xf32, #tpu.memory_space<vmem>> -> memref<256xf32, #tpu.memory_space<vmem>>
      %dma_start3A_35 = arith.constant 0 : i32
      %dma_start3A_36 = tpu.memref_slice %arg3[%add3A_9, %dma_start3A_35] : memref<128x256xf32, #tpu.memory_space<hbm>> -> memref<1x256xf32, #tpu.memory_space<hbm>>
      %dma_start3A_37 = tpu.memref_squeeze %dma_start3A_36 : memref<1x256xf32, #tpu.memory_space<hbm>> -> memref<256xf32, #tpu.memory_space<hbm>>
      %dma_start3A_38 = arith.constant 99968 : i32
      %dma_start3A_39 = tpu.memref_slice %arg6[%dma_start3A_38] : memref<100224xf32, #tpu.memory_space<vmem>> -> memref<256xf32, #tpu.memory_space<vmem>>
      %dma_start3A_40 = arith.constant 0 : i32
      %dma_start3A_41 = tpu.memref_slice %arg3[%add3A_9, %dma_start3A_40] : memref<128x256xf32, #tpu.memory_space<hbm>> -> memref<1x256xf32, #tpu.memory_space<hbm>>
      %dma_start3A_42 = tpu.memref_squeeze %dma_start3A_41 : memref<1x256xf32, #tpu.memory_space<hbm>> -> memref<256xf32, #tpu.memory_space<hbm>>
      tpu.enqueue_dma source(%dma_start3A_42 : memref<256xf32, #tpu.memory_space<hbm>>) target(%dma_start3A_39 : memref<256xf32, #tpu.memory_space<vmem>>) target_semaphore(%run_scoped3A : memref<!tpu.dma_semaphore, #tpu.memory_space<semaphore_mem>>)
      %dma_wait3A_43 = arith.constant 99968 : i32
      %dma_wait3A_44 = tpu.memref_slice %arg6[%dma_wait3A_43] : memref<100224xf32, #tpu.memory_space<vmem>> -> memref<256xf32, #tpu.memory_space<vmem>>
      %dma_wait3A_45 = arith.constant 0 : i32
      %dma_wait3A_46 = tpu.memref_slice %arg3[%add3A_9, %dma_wait3A_45] : memref<128x256xf32, #tpu.memory_space<hbm>> -> memref<1x256xf32, #tpu.memory_space<hbm>>
      %dma_wait3A_47 = tpu.memref_squeeze %dma_wait3A_46 : memref<1x256xf32, #tpu.memory_space<hbm>> -> memref<256xf32, #tpu.memory_space<hbm>>
      %dma_wait3A_48 = arith.constant 99968 : i32
      %dma_wait3A_49 = tpu.memref_slice %arg6[%dma_wait3A_48] : memref<100224xf32, #tpu.memory_space<vmem>> -> memref<256xf32, #tpu.memory_space<vmem>>
      %dma_wait3A_50 = arith.constant 0 : i32
      %dma_wait3A_51 = tpu.memref_slice %arg3[%add3A_9, %dma_wait3A_50] : memref<128x256xf32, #tpu.memory_space<hbm>> -> memref<1x256xf32, #tpu.memory_space<hbm>>
      %dma_wait3A_52 = tpu.memref_squeeze %dma_wait3A_51 : memref<1x256xf32, #tpu.memory_space<hbm>> -> memref<256xf32, #tpu.memory_space<hbm>>
      tpu.wait_dma2 semaphore(%run_scoped3A : memref<!tpu.dma_semaphore, #tpu.memory_space<semaphore_mem>>) src(%dma_wait3A_52 : memref<256xf32, #tpu.memory_space<hbm>>) dst(%dma_wait3A_49 : memref<256xf32, #tpu.memory_space<vmem>>)
      tpu.yield
    }) : () -> ()
    %dma_start3A = arith.constant 0 : i32
    %dma_start3A_10 = tpu.memref_slice %arg4[%dma_start3A] : memref<401408xi32, #tpu.memory_space<hbm>> -> memref<4096xi32, #tpu.memory_space<hbm>>
    %dma_start3A_11 = arith.constant 0 : i32
    %dma_start3A_12 = tpu.memref_slice %arg4[%dma_start3A_11] : memref<401408xi32, #tpu.memory_space<hbm>> -> memref<4096xi32, #tpu.memory_space<hbm>>
    tpu.enqueue_dma source(%dma_start3A_12 : memref<4096xi32, #tpu.memory_space<hbm>>) target(%arg7 : memref<4096xi32, #tpu.memory_space<vmem>>) target_semaphore(%arg11 : memref<!tpu.dma_semaphore, #tpu.memory_space<semaphore_mem>>)
    %dma_start3A_13 = arith.constant 4096 : i32
    %dma_start3A_14 = tpu.memref_slice %arg4[%dma_start3A_13] : memref<401408xi32, #tpu.memory_space<hbm>> -> memref<4096xi32, #tpu.memory_space<hbm>>
    %dma_start3A_15 = arith.constant 4096 : i32
    %dma_start3A_16 = tpu.memref_slice %arg4[%dma_start3A_15] : memref<401408xi32, #tpu.memory_space<hbm>> -> memref<4096xi32, #tpu.memory_space<hbm>>
    tpu.enqueue_dma source(%dma_start3A_16 : memref<4096xi32, #tpu.memory_space<hbm>>) target(%arg8 : memref<4096xi32, #tpu.memory_space<vmem>>) target_semaphore(%arg12 : memref<!tpu.dma_semaphore, #tpu.memory_space<semaphore_mem>>)
    %scan3A = arith.constant 0 : i32
    %scan3A_17 = arith.constant 0 : i32
    %scan3A_18 = arith.constant 49 : i32
    %scan3A_19 = arith.addi %scan3A_17, %scan3A_18 : i32
    %scan3A_20 = arith.constant 1 : i32
    scf.for %scan3A_33 = %scan3A_17 to %scan3A_19 step %scan3A_20  : i32 {
      %mul3A_34 = arith.constant 2 : i32
      %mul3A_35 = arith.muli %mul3A_34, %scan3A_33 : i32
      %add3A_36 = arith.constant 0 : i32
      %add3A_37 = arith.addi %mul3A_35, %add3A_36 : i32
      %mul3A_38 = arith.constant 4096 : i32
      %mul3A_39 = arith.muli %add3A_37, %mul3A_38 : i32
      %dma_wait3A_40 = tpu.memref_slice %arg4[%mul3A_39] : memref<401408xi32, #tpu.memory_space<hbm>> -> memref<4096xi32, #tpu.memory_space<hbm>>
      %dma_wait3A_41 = tpu.memref_slice %arg4[%mul3A_39] : memref<401408xi32, #tpu.memory_space<hbm>> -> memref<4096xi32, #tpu.memory_space<hbm>>
      tpu.wait_dma2 semaphore(%arg11 : memref<!tpu.dma_semaphore, #tpu.memory_space<semaphore_mem>>) src(%dma_wait3A_41 : memref<4096xi32, #tpu.memory_space<hbm>>) dst(%arg7 : memref<4096xi32, #tpu.memory_space<vmem>>)
      %gt3A = arith.constant 0 : i32
      %gt3A_42 = arith.cmpi sgt, %scan3A_33, %gt3A : i32
      %convert_element_type3A = arith.extui %gt3A_42 : i1 to i32
      %cond3A = arith.constant 0 : i32
      %cond3A_43 = arith.cmpi ne, %convert_element_type3A, %cond3A : i32
      scf.if %cond3A_43 {
        %sub3A = arith.constant 2 : i32
        %sub3A_174 = arith.subi %add3A_37, %sub3A : i32
        %mul3A_175 = arith.constant 4096 : i32
        %mul3A_176 = arith.muli %sub3A_174, %mul3A_175 : i32
        %add3A_177 = arith.addi %mul3A_5, %mul3A_176 : i32
        %dma_wait3A_178 = tpu.memref_slice %arg5[%add3A_177] : memref<12800000xf32, #tpu.memory_space<hbm>> -> memref<4096xf32, #tpu.memory_space<hbm>>
        %dma_wait3A_179 = tpu.memref_slice %arg5[%add3A_177] : memref<12800000xf32, #tpu.memory_space<hbm>> -> memref<4096xf32, #tpu.memory_space<hbm>>
        tpu.wait_dma2 semaphore(%arg13 : memref<!tpu.dma_semaphore, #tpu.memory_space<semaphore_mem>>) src(%arg9 : memref<4096xf32, #tpu.memory_space<vmem>>) dst(%dma_wait3A_179 : memref<4096xf32, #tpu.memory_space<hbm>>)
      } else {
      }
      %scan3A_44 = arith.constant 0 : i32
      %scan3A_45 = arith.constant 0 : i32
      %scan3A_46 = arith.constant 16 : i32
      %scan3A_47 = arith.addi %scan3A_45, %scan3A_46 : i32
      %scan3A_48 = arith.constant 1 : i32
      scf.for %scan3A_174 = %scan3A_45 to %scan3A_47 step %scan3A_48  : i32 {
        %mul3A_175 = arith.constant 16 : i32
        %mul3A_176 = arith.muli %scan3A_174, %mul3A_175 : i32
        %add3A_177 = arith.constant 0 : i32
        %add3A_178 = arith.addi %mul3A_176, %add3A_177 : i32
        %mul3A_179 = arith.constant 16 : i32
        %mul3A_180 = arith.muli %add3A_178, %mul3A_179 : i32
        %get3A = arith.index_cast %mul3A_180 : i32 to index
        %get3A_181 = tpu.vector_load %arg7[%get3A] {strides = array<i32>} : memref<4096xi32, #tpu.memory_space<vmem>>, vector<16xi32>,
        %and3A = arith.andi %get3A_181, %broadcast_in_dim3A_1 : vector<16xi32>
        %gather3A = tpu.vector_load_idx %arg6[%and3A] : memref<100224xf32, #tpu.memory_space<vmem>>[vector<16xi32>], vector<16xf32>,
        %shift_right_logical3A = arith.constant 17 : i32
        %shift_right_logical3A_182 = vector.broadcast %shift_right_logical3A : i32 to vector<16xi32>
        %shift_right_logical3A_183 = arith.shrui %get3A_181, %shift_right_logical3A_182 : vector<16xi32>
        %add3A_184 = arith.addi %shift_right_logical3A_183, %broadcast_in_dim3A_3 : vector<16xi32>
        %gather3A_185 = tpu.vector_load_idx %arg6[%add3A_184] : memref<100224xf32, #tpu.memory_space<vmem>>[vector<16xi32>], vector<16xf32>,
        %add3A_186 = arith.addf %gather3A, %gather3A_185 : vector<16xf32>
        %swap3A = arith.index_cast %mul3A_180 : i32 to index
        %swap3A_187 = tpu.vector_load %arg9[%swap3A] {strides = array<i32>} : memref<4096xf32, #tpu.memory_space<vmem>>, vector<16xf32>,
        tpu.vector_store %arg9[%swap3A], %add3A_186 {strides = array<i32>} : memref<4096xf32, #tpu.memory_space<vmem>>, vector<16xf32>,
        %mul3A_188 = arith.constant 16 : i32
        %mul3A_189 = arith.muli %scan3A_174, %mul3A_188 : i32
        %add3A_190 = arith.constant 1 : i32
        %add3A_191 = arith.addi %mul3A_189, %add3A_190 : i32
        %mul3A_192 = arith.constant 16 : i32
        %mul3A_193 = arith.muli %add3A_191, %mul3A_192 : i32
        %get3A_194 = arith.index_cast %mul3A_193 : i32 to index
        %get3A_195 = tpu.vector_load %arg7[%get3A_194] {strides = array<i32>} : memref<4096xi32, #tpu.memory_space<vmem>>, vector<16xi32>,
        %and3A_196 = arith.andi %get3A_195, %broadcast_in_dim3A_1 : vector<16xi32>
        %gather3A_197 = tpu.vector_load_idx %arg6[%and3A_196] : memref<100224xf32, #tpu.memory_space<vmem>>[vector<16xi32>], vector<16xf32>,
        %shift_right_logical3A_198 = arith.constant 17 : i32
        %shift_right_logical3A_199 = vector.broadcast %shift_right_logical3A_198 : i32 to vector<16xi32>
        %shift_right_logical3A_200 = arith.shrui %get3A_195, %shift_right_logical3A_199 : vector<16xi32>
        %add3A_201 = arith.addi %shift_right_logical3A_200, %broadcast_in_dim3A_3 : vector<16xi32>
        %gather3A_202 = tpu.vector_load_idx %arg6[%add3A_201] : memref<100224xf32, #tpu.memory_space<vmem>>[vector<16xi32>], vector<16xf32>,
        %add3A_203 = arith.addf %gather3A_197, %gather3A_202 : vector<16xf32>
        %swap3A_204 = arith.index_cast %mul3A_193 : i32 to index
        %swap3A_205 = tpu.vector_load %arg9[%swap3A_204] {strides = array<i32>} : memref<4096xf32, #tpu.memory_space<vmem>>, vector<16xf32>,
        tpu.vector_store %arg9[%swap3A_204], %add3A_203 {strides = array<i32>} : memref<4096xf32, #tpu.memory_space<vmem>>, vector<16xf32>,
        %mul3A_206 = arith.constant 16 : i32
        %mul3A_207 = arith.muli %scan3A_174, %mul3A_206 : i32
        %add3A_208 = arith.constant 2 : i32
        %add3A_209 = arith.addi %mul3A_207, %add3A_208 : i32
        %mul3A_210 = arith.constant 16 : i32
        %mul3A_211 = arith.muli %add3A_209, %mul3A_210 : i32
        %get3A_212 = arith.index_cast %mul3A_211 : i32 to index
        %get3A_213 = tpu.vector_load %arg7[%get3A_212] {strides = array<i32>} : memref<4096xi32, #tpu.memory_space<vmem>>, vector<16xi32>,
        %and3A_214 = arith.andi %get3A_213, %broadcast_in_dim3A_1 : vector<16xi32>
        %gather3A_215 = tpu.vector_load_idx %arg6[%and3A_214] : memref<100224xf32, #tpu.memory_space<vmem>>[vector<16xi32>], vector<16xf32>,
        %shift_right_logical3A_216 = arith.constant 17 : i32
        %shift_right_logical3A_217 = vector.broadcast %shift_right_logical3A_216 : i32 to vector<16xi32>
        %shift_right_logical3A_218 = arith.shrui %get3A_213, %shift_right_logical3A_217 : vector<16xi32>
        %add3A_219 = arith.addi %shift_right_logical3A_218, %broadcast_in_dim3A_3 : vector<16xi32>
        %gather3A_220 = tpu.vector_load_idx %arg6[%add3A_219] : memref<100224xf32, #tpu.memory_space<vmem>>[vector<16xi32>], vector<16xf32>,
        %add3A_221 = arith.addf %gather3A_215, %gather3A_220 : vector<16xf32>
        %swap3A_222 = arith.index_cast %mul3A_211 : i32 to index
        %swap3A_223 = tpu.vector_load %arg9[%swap3A_222] {strides = array<i32>} : memref<4096xf32, #tpu.memory_space<vmem>>, vector<16xf32>,
        tpu.vector_store %arg9[%swap3A_222], %add3A_221 {strides = array<i32>} : memref<4096xf32, #tpu.memory_space<vmem>>, vector<16xf32>,
        %mul3A_224 = arith.constant 16 : i32
        %mul3A_225 = arith.muli %scan3A_174, %mul3A_224 : i32
        %add3A_226 = arith.constant 3 : i32
        %add3A_227 = arith.addi %mul3A_225, %add3A_226 : i32
        %mul3A_228 = arith.constant 16 : i32
        %mul3A_229 = arith.muli %add3A_227, %mul3A_228 : i32
        %get3A_230 = arith.index_cast %mul3A_229 : i32 to index
        %get3A_231 = tpu.vector_load %arg7[%get3A_230] {strides = array<i32>} : memref<4096xi32, #tpu.memory_space<vmem>>, vector<16xi32>,
        %and3A_232 = arith.andi %get3A_231, %broadcast_in_dim3A_1 : vector<16xi32>
        %gather3A_233 = tpu.vector_load_idx %arg6[%and3A_232] : memref<100224xf32, #tpu.memory_space<vmem>>[vector<16xi32>], vector<16xf32>,
        %shift_right_logical3A_234 = arith.constant 17 : i32
        %shift_right_logical3A_235 = vector.broadcast %shift_right_logical3A_234 : i32 to vector<16xi32>
        %shift_right_logical3A_236 = arith.shrui %get3A_231, %shift_right_logical3A_235 : vector<16xi32>
        %add3A_237 = arith.addi %shift_right_logical3A_236, %broadcast_in_dim3A_3 : vector<16xi32>
        %gather3A_238 = tpu.vector_load_idx %arg6[%add3A_237] : memref<100224xf32, #tpu.memory_space<vmem>>[vector<16xi32>], vector<16xf32>,
        %add3A_239 = arith.addf %gather3A_233, %gather3A_238 : vector<16xf32>
        %swap3A_240 = arith.index_cast %mul3A_229 : i32 to index
        %swap3A_241 = tpu.vector_load %arg9[%swap3A_240] {strides = array<i32>} : memref<4096xf32, #tpu.memory_space<vmem>>, vector<16xf32>,
        tpu.vector_store %arg9[%swap3A_240], %add3A_239 {strides = array<i32>} : memref<4096xf32, #tpu.memory_space<vmem>>, vector<16xf32>,
        %mul3A_242 = arith.constant 16 : i32
        %mul3A_243 = arith.muli %scan3A_174, %mul3A_242 : i32
        %add3A_244 = arith.constant 4 : i32
        %add3A_245 = arith.addi %mul3A_243, %add3A_244 : i32
        %mul3A_246 = arith.constant 16 : i32
        %mul3A_247 = arith.muli %add3A_245, %mul3A_246 : i32
        %get3A_248 = arith.index_cast %mul3A_247 : i32 to index
        %get3A_249 = tpu.vector_load %arg7[%get3A_248] {strides = array<i32>} : memref<4096xi32, #tpu.memory_space<vmem>>, vector<16xi32>,
        %and3A_250 = arith.andi %get3A_249, %broadcast_in_dim3A_1 : vector<16xi32>
        %gather3A_251 = tpu.vector_load_idx %arg6[%and3A_250] : memref<100224xf32, #tpu.memory_space<vmem>>[vector<16xi32>], vector<16xf32>,
        %shift_right_logical3A_252 = arith.constant 17 : i32
        %shift_right_logical3A_253 = vector.broadcast %shift_right_logical3A_252 : i32 to vector<16xi32>
        %shift_right_logical3A_254 = arith.shrui %get3A_249, %shift_right_logical3A_253 : vector<16xi32>
        %add3A_255 = arith.addi %shift_right_logical3A_254, %broadcast_in_dim3A_3 : vector<16xi32>
        %gather3A_256 = tpu.vector_load_idx %arg6[%add3A_255] : memref<100224xf32, #tpu.memory_space<vmem>>[vector<16xi32>], vector<16xf32>,
        %add3A_257 = arith.addf %gather3A_251, %gather3A_256 : vector<16xf32>
        %swap3A_258 = arith.index_cast %mul3A_247 : i32 to index
        %swap3A_259 = tpu.vector_load %arg9[%swap3A_258] {strides = array<i32>} : memref<4096xf32, #tpu.memory_space<vmem>>, vector<16xf32>,
        tpu.vector_store %arg9[%swap3A_258], %add3A_257 {strides = array<i32>} : memref<4096xf32, #tpu.memory_space<vmem>>, vector<16xf32>,
        %mul3A_260 = arith.constant 16 : i32
        %mul3A_261 = arith.muli %scan3A_174, %mul3A_260 : i32
        %add3A_262 = arith.constant 5 : i32
        %add3A_263 = arith.addi %mul3A_261, %add3A_262 : i32
        %mul3A_264 = arith.constant 16 : i32
        %mul3A_265 = arith.muli %add3A_263, %mul3A_264 : i32
        %get3A_266 = arith.index_cast %mul3A_265 : i32 to index
        %get3A_267 = tpu.vector_load %arg7[%get3A_266] {strides = array<i32>} : memref<4096xi32, #tpu.memory_space<vmem>>, vector<16xi32>,
        %and3A_268 = arith.andi %get3A_267, %broadcast_in_dim3A_1 : vector<16xi32>
        %gather3A_269 = tpu.vector_load_idx %arg6[%and3A_268] : memref<100224xf32, #tpu.memory_space<vmem>>[vector<16xi32>], vector<16xf32>,
        %shift_right_logical3A_270 = arith.constant 17 : i32
        %shift_right_logical3A_271 = vector.broadcast %shift_right_logical3A_270 : i32 to vector<16xi32>
        %shift_right_logical3A_272 = arith.shrui %get3A_267, %shift_right_logical3A_271 : vector<16xi32>
        %add3A_273 = arith.addi %shift_right_logical3A_272, %broadcast_in_dim3A_3 : vector<16xi32>
        %gather3A_274 = tpu.vector_load_idx %arg6[%add3A_273] : memref<100224xf32, #tpu.memory_space<vmem>>[vector<16xi32>], vector<16xf32>,
        %add3A_275 = arith.addf %gather3A_269, %gather3A_274 : vector<16xf32>
        %swap3A_276 = arith.index_cast %mul3A_265 : i32 to index
        %swap3A_277 = tpu.vector_load %arg9[%swap3A_276] {strides = array<i32>} : memref<4096xf32, #tpu.memory_space<vmem>>, vector<16xf32>,
        tpu.vector_store %arg9[%swap3A_276], %add3A_275 {strides = array<i32>} : memref<4096xf32, #tpu.memory_space<vmem>>, vector<16xf32>,
        %mul3A_278 = arith.constant 16 : i32
        %mul3A_279 = arith.muli %scan3A_174, %mul3A_278 : i32
        %add3A_280 = arith.constant 6 : i32
        %add3A_281 = arith.addi %mul3A_279, %add3A_280 : i32
        %mul3A_282 = arith.constant 16 : i32
        %mul3A_283 = arith.muli %add3A_281, %mul3A_282 : i32
        %get3A_284 = arith.index_cast %mul3A_283 : i32 to index
        %get3A_285 = tpu.vector_load %arg7[%get3A_284] {strides = array<i32>} : memref<4096xi32, #tpu.memory_space<vmem>>, vector<16xi32>,
        %and3A_286 = arith.andi %get3A_285, %broadcast_in_dim3A_1 : vector<16xi32>
        %gather3A_287 = tpu.vector_load_idx %arg6[%and3A_286] : memref<100224xf32, #tpu.memory_space<vmem>>[vector<16xi32>], vector<16xf32>,
        %shift_right_logical3A_288 = arith.constant 17 : i32
        %shift_right_logical3A_289 = vector.broadcast %shift_right_logical3A_288 : i32 to vector<16xi32>
        %shift_right_logical3A_290 = arith.shrui %get3A_285, %shift_right_logical3A_289 : vector<16xi32>
        %add3A_291 = arith.addi %shift_right_logical3A_290, %broadcast_in_dim3A_3 : vector<16xi32>
        %gather3A_292 = tpu.vector_load_idx %arg6[%add3A_291] : memref<100224xf32, #tpu.memory_space<vmem>>[vector<16xi32>], vector<16xf32>,
        %add3A_293 = arith.addf %gather3A_287, %gather3A_292 : vector<16xf32>
        %swap3A_294 = arith.index_cast %mul3A_283 : i32 to index
        %swap3A_295 = tpu.vector_load %arg9[%swap3A_294] {strides = array<i32>} : memref<4096xf32, #tpu.memory_space<vmem>>, vector<16xf32>,
        tpu.vector_store %arg9[%swap3A_294], %add3A_293 {strides = array<i32>} : memref<4096xf32, #tpu.memory_space<vmem>>, vector<16xf32>,
        %mul3A_296 = arith.constant 16 : i32
        %mul3A_297 = arith.muli %scan3A_174, %mul3A_296 : i32
        %add3A_298 = arith.constant 7 : i32
        %add3A_299 = arith.addi %mul3A_297, %add3A_298 : i32
        %mul3A_300 = arith.constant 16 : i32
        %mul3A_301 = arith.muli %add3A_299, %mul3A_300 : i32
        %get3A_302 = arith.index_cast %mul3A_301 : i32 to index
        %get3A_303 = tpu.vector_load %arg7[%get3A_302] {strides = array<i32>} : memref<4096xi32, #tpu.memory_space<vmem>>, vector<16xi32>,
        %and3A_304 = arith.andi %get3A_303, %broadcast_in_dim3A_1 : vector<16xi32>
        %gather3A_305 = tpu.vector_load_idx %arg6[%and3A_304] : memref<100224xf32, #tpu.memory_space<vmem>>[vector<16xi32>], vector<16xf32>,
        %shift_right_logical3A_306 = arith.constant 17 : i32
        %shift_right_logical3A_307 = vector.broadcast %shift_right_logical3A_306 : i32 to vector<16xi32>
        %shift_right_logical3A_308 = arith.shrui %get3A_303, %shift_right_logical3A_307 : vector<16xi32>
        %add3A_309 = arith.addi %shift_right_logical3A_308, %broadcast_in_dim3A_3 : vector<16xi32>
        %gather3A_310 = tpu.vector_load_idx %arg6[%add3A_309] : memref<100224xf32, #tpu.memory_space<vmem>>[vector<16xi32>], vector<16xf32>,
        %add3A_311 = arith.addf %gather3A_305, %gather3A_310 : vector<16xf32>
        %swap3A_312 = arith.index_cast %mul3A_301 : i32 to index
        %swap3A_313 = tpu.vector_load %arg9[%swap3A_312] {strides = array<i32>} : memref<4096xf32, #tpu.memory_space<vmem>>, vector<16xf32>,
        tpu.vector_store %arg9[%swap3A_312], %add3A_311 {strides = array<i32>} : memref<4096xf32, #tpu.memory_space<vmem>>, vector<16xf32>,
        %mul3A_314 = arith.constant 16 : i32
        %mul3A_315 = arith.muli %scan3A_174, %mul3A_314 : i32
        %add3A_316 = arith.constant 8 : i32
        %add3A_317 = arith.addi %mul3A_315, %add3A_316 : i32
        %mul3A_318 = arith.constant 16 : i32
        %mul3A_319 = arith.muli %add3A_317, %mul3A_318 : i32
        %get3A_320 = arith.index_cast %mul3A_319 : i32 to index
        %get3A_321 = tpu.vector_load %arg7[%get3A_320] {strides = array<i32>} : memref<4096xi32, #tpu.memory_space<vmem>>, vector<16xi32>,
        %and3A_322 = arith.andi %get3A_321, %broadcast_in_dim3A_1 : vector<16xi32>
        %gather3A_323 = tpu.vector_load_idx %arg6[%and3A_322] : memref<100224xf32, #tpu.memory_space<vmem>>[vector<16xi32>], vector<16xf32>,
        %shift_right_logical3A_324 = arith.constant 17 : i32
        %shift_right_logical3A_325 = vector.broadcast %shift_right_logical3A_324 : i32 to vector<16xi32>
        %shift_right_logical3A_326 = arith.shrui %get3A_321, %shift_right_logical3A_325 : vector<16xi32>
        %add3A_327 = arith.addi %shift_right_logical3A_326, %broadcast_in_dim3A_3 : vector<16xi32>
        %gather3A_328 = tpu.vector_load_idx %arg6[%add3A_327] : memref<100224xf32, #tpu.memory_space<vmem>>[vector<16xi32>], vector<16xf32>,
        %add3A_329 = arith.addf %gather3A_323, %gather3A_328 : vector<16xf32>
        %swap3A_330 = arith.index_cast %mul3A_319 : i32 to index
        %swap3A_331 = tpu.vector_load %arg9[%swap3A_330] {strides = array<i32>} : memref<4096xf32, #tpu.memory_space<vmem>>, vector<16xf32>,
        tpu.vector_store %arg9[%swap3A_330], %add3A_329 {strides = array<i32>} : memref<4096xf32, #tpu.memory_space<vmem>>, vector<16xf32>,
        %mul3A_332 = arith.constant 16 : i32
        %mul3A_333 = arith.muli %scan3A_174, %mul3A_332 : i32
        %add3A_334 = arith.constant 9 : i32
        %add3A_335 = arith.addi %mul3A_333, %add3A_334 : i32
        %mul3A_336 = arith.constant 16 : i32
        %mul3A_337 = arith.muli %add3A_335, %mul3A_336 : i32
        %get3A_338 = arith.index_cast %mul3A_337 : i32 to index
        %get3A_339 = tpu.vector_load %arg7[%get3A_338] {strides = array<i32>} : memref<4096xi32, #tpu.memory_space<vmem>>, vector<16xi32>,
        %and3A_340 = arith.andi %get3A_339, %broadcast_in_dim3A_1 : vector<16xi32>
        %gather3A_341 = tpu.vector_load_idx %arg6[%and3A_340] : memref<100224xf32, #tpu.memory_space<vmem>>[vector<16xi32>], vector<16xf32>,
        %shift_right_logical3A_342 = arith.constant 17 : i32
        %shift_right_logical3A_343 = vector.broadcast %shift_right_logical3A_342 : i32 to vector<16xi32>
        %shift_right_logical3A_344 = arith.shrui %get3A_339, %shift_right_logical3A_343 : vector<16xi32>
        %add3A_345 = arith.addi %shift_right_logical3A_344, %broadcast_in_dim3A_3 : vector<16xi32>
        %gather3A_346 = tpu.vector_load_idx %arg6[%add3A_345] : memref<100224xf32, #tpu.memory_space<vmem>>[vector<16xi32>], vector<16xf32>,
        %add3A_347 = arith.addf %gather3A_341, %gather3A_346 : vector<16xf32>
        %swap3A_348 = arith.index_cast %mul3A_337 : i32 to index
        %swap3A_349 = tpu.vector_load %arg9[%swap3A_348] {strides = array<i32>} : memref<4096xf32, #tpu.memory_space<vmem>>, vector<16xf32>,
        tpu.vector_store %arg9[%swap3A_348], %add3A_347 {strides = array<i32>} : memref<4096xf32, #tpu.memory_space<vmem>>, vector<16xf32>,
        %mul3A_350 = arith.constant 16 : i32
        %mul3A_351 = arith.muli %scan3A_174, %mul3A_350 : i32
        %add3A_352 = arith.constant 10 : i32
        %add3A_353 = arith.addi %mul3A_351, %add3A_352 : i32
        %mul3A_354 = arith.constant 16 : i32
        %mul3A_355 = arith.muli %add3A_353, %mul3A_354 : i32
        %get3A_356 = arith.index_cast %mul3A_355 : i32 to index
        %get3A_357 = tpu.vector_load %arg7[%get3A_356] {strides = array<i32>} : memref<4096xi32, #tpu.memory_space<vmem>>, vector<16xi32>,
        %and3A_358 = arith.andi %get3A_357, %broadcast_in_dim3A_1 : vector<16xi32>
        %gather3A_359 = tpu.vector_load_idx %arg6[%and3A_358] : memref<100224xf32, #tpu.memory_space<vmem>>[vector<16xi32>], vector<16xf32>,
        %shift_right_logical3A_360 = arith.constant 17 : i32
        %shift_right_logical3A_361 = vector.broadcast %shift_right_logical3A_360 : i32 to vector<16xi32>
        %shift_right_logical3A_362 = arith.shrui %get3A_357, %shift_right_logical3A_361 : vector<16xi32>
        %add3A_363 = arith.addi %shift_right_logical3A_362, %broadcast_in_dim3A_3 : vector<16xi32>
        %gather3A_364 = tpu.vector_load_idx %arg6[%add3A_363] : memref<100224xf32, #tpu.memory_space<vmem>>[vector<16xi32>], vector<16xf32>,
        %add3A_365 = arith.addf %gather3A_359, %gather3A_364 : vector<16xf32>
        %swap3A_366 = arith.index_cast %mul3A_355 : i32 to index
        %swap3A_367 = tpu.vector_load %arg9[%swap3A_366] {strides = array<i32>} : memref<4096xf32, #tpu.memory_space<vmem>>, vector<16xf32>,
        tpu.vector_store %arg9[%swap3A_366], %add3A_365 {strides = array<i32>} : memref<4096xf32, #tpu.memory_space<vmem>>, vector<16xf32>,
        %mul3A_368 = arith.constant 16 : i32
        %mul3A_369 = arith.muli %scan3A_174, %mul3A_368 : i32
        %add3A_370 = arith.constant 11 : i32
        %add3A_371 = arith.addi %mul3A_369, %add3A_370 : i32
        %mul3A_372 = arith.constant 16 : i32
        %mul3A_373 = arith.muli %add3A_371, %mul3A_372 : i32
        %get3A_374 = arith.index_cast %mul3A_373 : i32 to index
        %get3A_375 = tpu.vector_load %arg7[%get3A_374] {strides = array<i32>} : memref<4096xi32, #tpu.memory_space<vmem>>, vector<16xi32>,
        %and3A_376 = arith.andi %get3A_375, %broadcast_in_dim3A_1 : vector<16xi32>
        %gather3A_377 = tpu.vector_load_idx %arg6[%and3A_376] : memref<100224xf32, #tpu.memory_space<vmem>>[vector<16xi32>], vector<16xf32>,
        %shift_right_logical3A_378 = arith.constant 17 : i32
        %shift_right_logical3A_379 = vector.broadcast %shift_right_logical3A_378 : i32 to vector<16xi32>
        %shift_right_logical3A_380 = arith.shrui %get3A_375, %shift_right_logical3A_379 : vector<16xi32>
        %add3A_381 = arith.addi %shift_right_logical3A_380, %broadcast_in_dim3A_3 : vector<16xi32>
        %gather3A_382 = tpu.vector_load_idx %arg6[%add3A_381] : memref<100224xf32, #tpu.memory_space<vmem>>[vector<16xi32>], vector<16xf32>,
        %add3A_383 = arith.addf %gather3A_377, %gather3A_382 : vector<16xf32>
        %swap3A_384 = arith.index_cast %mul3A_373 : i32 to index
        %swap3A_385 = tpu.vector_load %arg9[%swap3A_384] {strides = array<i32>} : memref<4096xf32, #tpu.memory_space<vmem>>, vector<16xf32>,
        tpu.vector_store %arg9[%swap3A_384], %add3A_383 {strides = array<i32>} : memref<4096xf32, #tpu.memory_space<vmem>>, vector<16xf32>,
        %mul3A_386 = arith.constant 16 : i32
        %mul3A_387 = arith.muli %scan3A_174, %mul3A_386 : i32
        %add3A_388 = arith.constant 12 : i32
        %add3A_389 = arith.addi %mul3A_387, %add3A_388 : i32
        %mul3A_390 = arith.constant 16 : i32
        %mul3A_391 = arith.muli %add3A_389, %mul3A_390 : i32
        %get3A_392 = arith.index_cast %mul3A_391 : i32 to index
        %get3A_393 = tpu.vector_load %arg7[%get3A_392] {strides = array<i32>} : memref<4096xi32, #tpu.memory_space<vmem>>, vector<16xi32>,
        %and3A_394 = arith.andi %get3A_393, %broadcast_in_dim3A_1 : vector<16xi32>
        %gather3A_395 = tpu.vector_load_idx %arg6[%and3A_394] : memref<100224xf32, #tpu.memory_space<vmem>>[vector<16xi32>], vector<16xf32>,
        %shift_right_logical3A_396 = arith.constant 17 : i32
        %shift_right_logical3A_397 = vector.broadcast %shift_right_logical3A_396 : i32 to vector<16xi32>
        %shift_right_logical3A_398 = arith.shrui %get3A_393, %shift_right_logical3A_397 : vector<16xi32>
        %add3A_399 = arith.addi %shift_right_logical3A_398, %broadcast_in_dim3A_3 : vector<16xi32>
        %gather3A_400 = tpu.vector_load_idx %arg6[%add3A_399] : memref<100224xf32, #tpu.memory_space<vmem>>[vector<16xi32>], vector<16xf32>,
        %add3A_401 = arith.addf %gather3A_395, %gather3A_400 : vector<16xf32>
        %swap3A_402 = arith.index_cast %mul3A_391 : i32 to index
        %swap3A_403 = tpu.vector_load %arg9[%swap3A_402] {strides = array<i32>} : memref<4096xf32, #tpu.memory_space<vmem>>, vector<16xf32>,
        tpu.vector_store %arg9[%swap3A_402], %add3A_401 {strides = array<i32>} : memref<4096xf32, #tpu.memory_space<vmem>>, vector<16xf32>,
        %mul3A_404 = arith.constant 16 : i32
        %mul3A_405 = arith.muli %scan3A_174, %mul3A_404 : i32
        %add3A_406 = arith.constant 13 : i32
        %add3A_407 = arith.addi %mul3A_405, %add3A_406 : i32
        %mul3A_408 = arith.constant 16 : i32
        %mul3A_409 = arith.muli %add3A_407, %mul3A_408 : i32
        %get3A_410 = arith.index_cast %mul3A_409 : i32 to index
        %get3A_411 = tpu.vector_load %arg7[%get3A_410] {strides = array<i32>} : memref<4096xi32, #tpu.memory_space<vmem>>, vector<16xi32>,
        %and3A_412 = arith.andi %get3A_411, %broadcast_in_dim3A_1 : vector<16xi32>
        %gather3A_413 = tpu.vector_load_idx %arg6[%and3A_412] : memref<100224xf32, #tpu.memory_space<vmem>>[vector<16xi32>], vector<16xf32>,
        %shift_right_logical3A_414 = arith.constant 17 : i32
        %shift_right_logical3A_415 = vector.broadcast %shift_right_logical3A_414 : i32 to vector<16xi32>
        %shift_right_logical3A_416 = arith.shrui %get3A_411, %shift_right_logical3A_415 : vector<16xi32>
        %add3A_417 = arith.addi %shift_right_logical3A_416, %broadcast_in_dim3A_3 : vector<16xi32>
        %gather3A_418 = tpu.vector_load_idx %arg6[%add3A_417] : memref<100224xf32, #tpu.memory_space<vmem>>[vector<16xi32>], vector<16xf32>,
        %add3A_419 = arith.addf %gather3A_413, %gather3A_418 : vector<16xf32>
        %swap3A_420 = arith.index_cast %mul3A_409 : i32 to index
        %swap3A_421 = tpu.vector_load %arg9[%swap3A_420] {strides = array<i32>} : memref<4096xf32, #tpu.memory_space<vmem>>, vector<16xf32>,
        tpu.vector_store %arg9[%swap3A_420], %add3A_419 {strides = array<i32>} : memref<4096xf32, #tpu.memory_space<vmem>>, vector<16xf32>,
        %mul3A_422 = arith.constant 16 : i32
        %mul3A_423 = arith.muli %scan3A_174, %mul3A_422 : i32
        %add3A_424 = arith.constant 14 : i32
        %add3A_425 = arith.addi %mul3A_423, %add3A_424 : i32
        %mul3A_426 = arith.constant 16 : i32
        %mul3A_427 = arith.muli %add3A_425, %mul3A_426 : i32
        %get3A_428 = arith.index_cast %mul3A_427 : i32 to index
        %get3A_429 = tpu.vector_load %arg7[%get3A_428] {strides = array<i32>} : memref<4096xi32, #tpu.memory_space<vmem>>, vector<16xi32>,
        %and3A_430 = arith.andi %get3A_429, %broadcast_in_dim3A_1 : vector<16xi32>
        %gather3A_431 = tpu.vector_load_idx %arg6[%and3A_430] : memref<100224xf32, #tpu.memory_space<vmem>>[vector<16xi32>], vector<16xf32>,
        %shift_right_logical3A_432 = arith.constant 17 : i32
        %shift_right_logical3A_433 = vector.broadcast %shift_right_logical3A_432 : i32 to vector<16xi32>
        %shift_right_logical3A_434 = arith.shrui %get3A_429, %shift_right_logical3A_433 : vector<16xi32>
        %add3A_435 = arith.addi %shift_right_logical3A_434, %broadcast_in_dim3A_3 : vector<16xi32>
        %gather3A_436 = tpu.vector_load_idx %arg6[%add3A_435] : memref<100224xf32, #tpu.memory_space<vmem>>[vector<16xi32>], vector<16xf32>,
        %add3A_437 = arith.addf %gather3A_431, %gather3A_436 : vector<16xf32>
        %swap3A_438 = arith.index_cast %mul3A_427 : i32 to index
        %swap3A_439 = tpu.vector_load %arg9[%swap3A_438] {strides = array<i32>} : memref<4096xf32, #tpu.memory_space<vmem>>, vector<16xf32>,
        tpu.vector_store %arg9[%swap3A_438], %add3A_437 {strides = array<i32>} : memref<4096xf32, #tpu.memory_space<vmem>>, vector<16xf32>,
        %mul3A_440 = arith.constant 16 : i32
        %mul3A_441 = arith.muli %scan3A_174, %mul3A_440 : i32
        %add3A_442 = arith.constant 15 : i32
        %add3A_443 = arith.addi %mul3A_441, %add3A_442 : i32
        %mul3A_444 = arith.constant 16 : i32
        %mul3A_445 = arith.muli %add3A_443, %mul3A_444 : i32
        %get3A_446 = arith.index_cast %mul3A_445 : i32 to index
        %get3A_447 = tpu.vector_load %arg7[%get3A_446] {strides = array<i32>} : memref<4096xi32, #tpu.memory_space<vmem>>, vector<16xi32>,
        %and3A_448 = arith.andi %get3A_447, %broadcast_in_dim3A_1 : vector<16xi32>
        %gather3A_449 = tpu.vector_load_idx %arg6[%and3A_448] : memref<100224xf32, #tpu.memory_space<vmem>>[vector<16xi32>], vector<16xf32>,
        %shift_right_logical3A_450 = arith.constant 17 : i32
        %shift_right_logical3A_451 = vector.broadcast %shift_right_logical3A_450 : i32 to vector<16xi32>
        %shift_right_logical3A_452 = arith.shrui %get3A_447, %shift_right_logical3A_451 : vector<16xi32>
        %add3A_453 = arith.addi %shift_right_logical3A_452, %broadcast_in_dim3A_3 : vector<16xi32>
        %gather3A_454 = tpu.vector_load_idx %arg6[%add3A_453] : memref<100224xf32, #tpu.memory_space<vmem>>[vector<16xi32>], vector<16xf32>,
        %add3A_455 = arith.addf %gather3A_449, %gather3A_454 : vector<16xf32>
        %swap3A_456 = arith.index_cast %mul3A_445 : i32 to index
        %swap3A_457 = tpu.vector_load %arg9[%swap3A_456] {strides = array<i32>} : memref<4096xf32, #tpu.memory_space<vmem>>, vector<16xf32>,
        tpu.vector_store %arg9[%swap3A_456], %add3A_455 {strides = array<i32>} : memref<4096xf32, #tpu.memory_space<vmem>>, vector<16xf32>,
      }
      %scan3A_49 = arith.constant 16 : i32
      %eq3A = arith.constant 24 : i32
      %eq3A_50 = arith.cmpi eq, %add3A_37, %eq3A : i32
      %convert_element_type3A_51 = arith.extui %eq3A_50 : i1 to i32
      %cond3A_52 = arith.constant 0 : i32
      %cond3A_53 = arith.cmpi ne, %convert_element_type3A_51, %cond3A_52 : i32
      scf.if %cond3A_53 {
        %mul3A_174 = arith.constant 4 : i32
        %mul3A_175 = arith.muli %add3A, %mul3A_174 : i32
        %add3A_176 = arith.constant 1 : i32
        %add3A_177 = arith.addi %mul3A_175, %add3A_176 : i32
        "tpu.region"() ({
          %run_scoped3A = tpu.sem_alloc : memref<!tpu.dma_semaphore, #tpu.memory_space<semaphore_mem>>
          %dma_start3A_178 = arith.constant 0 : i32
          %dma_start3A_179 = tpu.memref_slice %arg6[%dma_start3A_178] : memref<100224xf32, #tpu.memory_space<vmem>> -> memref<99968xf32, #tpu.memory_space<vmem>>
          %dma_start3A_180 = arith.constant 0 : i32
          %dma_start3A_181 = tpu.memref_slice %arg2[%add3A_177, %dma_start3A_180] : memref<128x100000xf32, #tpu.memory_space<hbm>> -> memref<1x99968xf32, #tpu.memory_space<hbm>>
          %dma_start3A_182 = tpu.memref_squeeze %dma_start3A_181 : memref<1x99968xf32, #tpu.memory_space<hbm>> -> memref<99968xf32, #tpu.memory_space<hbm>>
          %dma_start3A_183 = arith.constant 0 : i32
          %dma_start3A_184 = tpu.memref_slice %arg6[%dma_start3A_183] : memref<100224xf32, #tpu.memory_space<vmem>> -> memref<99968xf32, #tpu.memory_space<vmem>>
          %dma_start3A_185 = arith.constant 0 : i32
          %dma_start3A_186 = tpu.memref_slice %arg2[%add3A_177, %dma_start3A_185] : memref<128x100000xf32, #tpu.memory_space<hbm>> -> memref<1x99968xf32, #tpu.memory_space<hbm>>
          %dma_start3A_187 = tpu.memref_squeeze %dma_start3A_186 : memref<1x99968xf32, #tpu.memory_space<hbm>> -> memref<99968xf32, #tpu.memory_space<hbm>>
          tpu.enqueue_dma source(%dma_start3A_187 : memref<99968xf32, #tpu.memory_space<hbm>>) target(%dma_start3A_184 : memref<99968xf32, #tpu.memory_space<vmem>>) target_semaphore(%run_scoped3A : memref<!tpu.dma_semaphore, #tpu.memory_space<semaphore_mem>>)
          %dma_wait3A_188 = arith.constant 0 : i32
          %dma_wait3A_189 = tpu.memref_slice %arg6[%dma_wait3A_188] : memref<100224xf32, #tpu.memory_space<vmem>> -> memref<99968xf32, #tpu.memory_space<vmem>>
          %dma_wait3A_190 = arith.constant 0 : i32
          %dma_wait3A_191 = tpu.memref_slice %arg2[%add3A_177, %dma_wait3A_190] : memref<128x100000xf32, #tpu.memory_space<hbm>> -> memref<1x99968xf32, #tpu.memory_space<hbm>>
          %dma_wait3A_192 = tpu.memref_squeeze %dma_wait3A_191 : memref<1x99968xf32, #tpu.memory_space<hbm>> -> memref<99968xf32, #tpu.memory_space<hbm>>
          %dma_wait3A_193 = arith.constant 0 : i32
          %dma_wait3A_194 = tpu.memref_slice %arg6[%dma_wait3A_193] : memref<100224xf32, #tpu.memory_space<vmem>> -> memref<99968xf32, #tpu.memory_space<vmem>>
          %dma_wait3A_195 = arith.constant 0 : i32
          %dma_wait3A_196 = tpu.memref_slice %arg2[%add3A_177, %dma_wait3A_195] : memref<128x100000xf32, #tpu.memory_space<hbm>> -> memref<1x99968xf32, #tpu.memory_space<hbm>>
          %dma_wait3A_197 = tpu.memref_squeeze %dma_wait3A_196 : memref<1x99968xf32, #tpu.memory_space<hbm>> -> memref<99968xf32, #tpu.memory_space<hbm>>
          tpu.wait_dma2 semaphore(%run_scoped3A : memref<!tpu.dma_semaphore, #tpu.memory_space<semaphore_mem>>) src(%dma_wait3A_197 : memref<99968xf32, #tpu.memory_space<hbm>>) dst(%dma_wait3A_194 : memref<99968xf32, #tpu.memory_space<vmem>>)
          tpu.yield
        }) : () -> ()
        "tpu.region"() ({
          %run_scoped3A = tpu.sem_alloc : memref<!tpu.dma_semaphore, #tpu.memory_space<semaphore_mem>>
          %dma_start3A_178 = arith.constant 99968 : i32
          %dma_start3A_179 = tpu.memref_slice %arg6[%dma_start3A_178] : memref<100224xf32, #tpu.memory_space<vmem>> -> memref<256xf32, #tpu.memory_space<vmem>>
          %dma_start3A_180 = arith.constant 0 : i32
          %dma_start3A_181 = tpu.memref_slice %arg3[%add3A_177, %dma_start3A_180] : memref<128x256xf32, #tpu.memory_space<hbm>> -> memref<1x256xf32, #tpu.memory_space<hbm>>
          %dma_start3A_182 = tpu.memref_squeeze %dma_start3A_181 : memref<1x256xf32, #tpu.memory_space<hbm>> -> memref<256xf32, #tpu.memory_space<hbm>>
          %dma_start3A_183 = arith.constant 99968 : i32
          %dma_start3A_184 = tpu.memref_slice %arg6[%dma_start3A_183] : memref<100224xf32, #tpu.memory_space<vmem>> -> memref<256xf32, #tpu.memory_space<vmem>>
          %dma_start3A_185 = arith.constant 0 : i32
          %dma_start3A_186 = tpu.memref_slice %arg3[%add3A_177, %dma_start3A_185] : memref<128x256xf32, #tpu.memory_space<hbm>> -> memref<1x256xf32, #tpu.memory_space<hbm>>
          %dma_start3A_187 = tpu.memref_squeeze %dma_start3A_186 : memref<1x256xf32, #tpu.memory_space<hbm>> -> memref<256xf32, #tpu.memory_space<hbm>>
          tpu.enqueue_dma source(%dma_start3A_187 : memref<256xf32, #tpu.memory_space<hbm>>) target(%dma_start3A_184 : memref<256xf32, #tpu.memory_space<vmem>>) target_semaphore(%run_scoped3A : memref<!tpu.dma_semaphore, #tpu.memory_space<semaphore_mem>>)
          %dma_wait3A_188 = arith.constant 99968 : i32
          %dma_wait3A_189 = tpu.memref_slice %arg6[%dma_wait3A_188] : memref<100224xf32, #tpu.memory_space<vmem>> -> memref<256xf32, #tpu.memory_space<vmem>>
          %dma_wait3A_190 = arith.constant 0 : i32
          %dma_wait3A_191 = tpu.memref_slice %arg3[%add3A_177, %dma_wait3A_190] : memref<128x256xf32, #tpu.memory_space<hbm>> -> memref<1x256xf32, #tpu.memory_space<hbm>>
          %dma_wait3A_192 = tpu.memref_squeeze %dma_wait3A_191 : memref<1x256xf32, #tpu.memory_space<hbm>> -> memref<256xf32, #tpu.memory_space<hbm>>
          %dma_wait3A_193 = arith.constant 99968 : i32
          %dma_wait3A_194 = tpu.memref_slice %arg6[%dma_wait3A_193] : memref<100224xf32, #tpu.memory_space<vmem>> -> memref<256xf32, #tpu.memory_space<vmem>>
          %dma_wait3A_195 = arith.constant 0 : i32
          %dma_wait3A_196 = tpu.memref_slice %arg3[%add3A_177, %dma_wait3A_195] : memref<128x256xf32, #tpu.memory_space<hbm>> -> memref<1x256xf32, #tpu.memory_space<hbm>>
          %dma_wait3A_197 = tpu.memref_squeeze %dma_wait3A_196 : memref<1x256xf32, #tpu.memory_space<hbm>> -> memref<256xf32, #tpu.memory_space<hbm>>
          tpu.wait_dma2 semaphore(%run_scoped3A : memref<!tpu.dma_semaphore, #tpu.memory_space<semaphore_mem>>) src(%dma_wait3A_197 : memref<256xf32, #tpu.memory_space<hbm>>) dst(%dma_wait3A_194 : memref<256xf32, #tpu.memory_space<vmem>>)
          tpu.yield
        }) : () -> ()
      } else {
      }
      %eq3A_54 = arith.constant 48 : i32
      %eq3A_55 = arith.cmpi eq, %add3A_37, %eq3A_54 : i32
      %convert_element_type3A_56 = arith.extui %eq3A_55 : i1 to i32
      %cond3A_57 = arith.constant 0 : i32
      %cond3A_58 = arith.cmpi ne, %convert_element_type3A_56, %cond3A_57 : i32
      scf.if %cond3A_58 {
        %mul3A_174 = arith.constant 4 : i32
        %mul3A_175 = arith.muli %add3A, %mul3A_174 : i32
        %add3A_176 = arith.constant 2 : i32
        %add3A_177 = arith.addi %mul3A_175, %add3A_176 : i32
        "tpu.region"() ({
          %run_scoped3A = tpu.sem_alloc : memref<!tpu.dma_semaphore, #tpu.memory_space<semaphore_mem>>
          %dma_start3A_178 = arith.constant 0 : i32
          %dma_start3A_179 = tpu.memref_slice %arg6[%dma_start3A_178] : memref<100224xf32, #tpu.memory_space<vmem>> -> memref<99968xf32, #tpu.memory_space<vmem>>
          %dma_start3A_180 = arith.constant 0 : i32
          %dma_start3A_181 = tpu.memref_slice %arg2[%add3A_177, %dma_start3A_180] : memref<128x100000xf32, #tpu.memory_space<hbm>> -> memref<1x99968xf32, #tpu.memory_space<hbm>>
          %dma_start3A_182 = tpu.memref_squeeze %dma_start3A_181 : memref<1x99968xf32, #tpu.memory_space<hbm>> -> memref<99968xf32, #tpu.memory_space<hbm>>
          %dma_start3A_183 = arith.constant 0 : i32
          %dma_start3A_184 = tpu.memref_slice %arg6[%dma_start3A_183] : memref<100224xf32, #tpu.memory_space<vmem>> -> memref<99968xf32, #tpu.memory_space<vmem>>
          %dma_start3A_185 = arith.constant 0 : i32
          %dma_start3A_186 = tpu.memref_slice %arg2[%add3A_177, %dma_start3A_185] : memref<128x100000xf32, #tpu.memory_space<hbm>> -> memref<1x99968xf32, #tpu.memory_space<hbm>>
          %dma_start3A_187 = tpu.memref_squeeze %dma_start3A_186 : memref<1x99968xf32, #tpu.memory_space<hbm>> -> memref<99968xf32, #tpu.memory_space<hbm>>
          tpu.enqueue_dma source(%dma_start3A_187 : memref<99968xf32, #tpu.memory_space<hbm>>) target(%dma_start3A_184 : memref<99968xf32, #tpu.memory_space<vmem>>) target_semaphore(%run_scoped3A : memref<!tpu.dma_semaphore, #tpu.memory_space<semaphore_mem>>)
          %dma_wait3A_188 = arith.constant 0 : i32
          %dma_wait3A_189 = tpu.memref_slice %arg6[%dma_wait3A_188] : memref<100224xf32, #tpu.memory_space<vmem>> -> memref<99968xf32, #tpu.memory_space<vmem>>
          %dma_wait3A_190 = arith.constant 0 : i32
          %dma_wait3A_191 = tpu.memref_slice %arg2[%add3A_177, %dma_wait3A_190] : memref<128x100000xf32, #tpu.memory_space<hbm>> -> memref<1x99968xf32, #tpu.memory_space<hbm>>
          %dma_wait3A_192 = tpu.memref_squeeze %dma_wait3A_191 : memref<1x99968xf32, #tpu.memory_space<hbm>> -> memref<99968xf32, #tpu.memory_space<hbm>>
          %dma_wait3A_193 = arith.constant 0 : i32
          %dma_wait3A_194 = tpu.memref_slice %arg6[%dma_wait3A_193] : memref<100224xf32, #tpu.memory_space<vmem>> -> memref<99968xf32, #tpu.memory_space<vmem>>
          %dma_wait3A_195 = arith.constant 0 : i32
          %dma_wait3A_196 = tpu.memref_slice %arg2[%add3A_177, %dma_wait3A_195] : memref<128x100000xf32, #tpu.memory_space<hbm>> -> memref<1x99968xf32, #tpu.memory_space<hbm>>
          %dma_wait3A_197 = tpu.memref_squeeze %dma_wait3A_196 : memref<1x99968xf32, #tpu.memory_space<hbm>> -> memref<99968xf32, #tpu.memory_space<hbm>>
          tpu.wait_dma2 semaphore(%run_scoped3A : memref<!tpu.dma_semaphore, #tpu.memory_space<semaphore_mem>>) src(%dma_wait3A_197 : memref<99968xf32, #tpu.memory_space<hbm>>) dst(%dma_wait3A_194 : memref<99968xf32, #tpu.memory_space<vmem>>)
          tpu.yield
        }) : () -> ()
        "tpu.region"() ({
          %run_scoped3A = tpu.sem_alloc : memref<!tpu.dma_semaphore, #tpu.memory_space<semaphore_mem>>
          %dma_start3A_178 = arith.constant 99968 : i32
          %dma_start3A_179 = tpu.memref_slice %arg6[%dma_start3A_178] : memref<100224xf32, #tpu.memory_space<vmem>> -> memref<256xf32, #tpu.memory_space<vmem>>
          %dma_start3A_180 = arith.constant 0 : i32
          %dma_start3A_181 = tpu.memref_slice %arg3[%add3A_177, %dma_start3A_180] : memref<128x256xf32, #tpu.memory_space<hbm>> -> memref<1x256xf32, #tpu.memory_space<hbm>>
          %dma_start3A_182 = tpu.memref_squeeze %dma_start3A_181 : memref<1x256xf32, #tpu.memory_space<hbm>> -> memref<256xf32, #tpu.memory_space<hbm>>
          %dma_start3A_183 = arith.constant 99968 : i32
          %dma_start3A_184 = tpu.memref_slice %arg6[%dma_start3A_183] : memref<100224xf32, #tpu.memory_space<vmem>> -> memref<256xf32, #tpu.memory_space<vmem>>
          %dma_start3A_185 = arith.constant 0 : i32
          %dma_start3A_186 = tpu.memref_slice %arg3[%add3A_177, %dma_start3A_185] : memref<128x256xf32, #tpu.memory_space<hbm>> -> memref<1x256xf32, #tpu.memory_space<hbm>>
          %dma_start3A_187 = tpu.memref_squeeze %dma_start3A_186 : memref<1x256xf32, #tpu.memory_space<hbm>> -> memref<256xf32, #tpu.memory_space<hbm>>
          tpu.enqueue_dma source(%dma_start3A_187 : memref<256xf32, #tpu.memory_space<hbm>>) target(%dma_start3A_184 : memref<256xf32, #tpu.memory_space<vmem>>) target_semaphore(%run_scoped3A : memref<!tpu.dma_semaphore, #tpu.memory_space<semaphore_mem>>)
          %dma_wait3A_188 = arith.constant 99968 : i32
          %dma_wait3A_189 = tpu.memref_slice %arg6[%dma_wait3A_188] : memref<100224xf32, #tpu.memory_space<vmem>> -> memref<256xf32, #tpu.memory_space<vmem>>
          %dma_wait3A_190 = arith.constant 0 : i32
          %dma_wait3A_191 = tpu.memref_slice %arg3[%add3A_177, %dma_wait3A_190] : memref<128x256xf32, #tpu.memory_space<hbm>> -> memref<1x256xf32, #tpu.memory_space<hbm>>
          %dma_wait3A_192 = tpu.memref_squeeze %dma_wait3A_191 : memref<1x256xf32, #tpu.memory_space<hbm>> -> memref<256xf32, #tpu.memory_space<hbm>>
          %dma_wait3A_193 = arith.constant 99968 : i32
          %dma_wait3A_194 = tpu.memref_slice %arg6[%dma_wait3A_193] : memref<100224xf32, #tpu.memory_space<vmem>> -> memref<256xf32, #tpu.memory_space<vmem>>
          %dma_wait3A_195 = arith.constant 0 : i32
          %dma_wait3A_196 = tpu.memref_slice %arg3[%add3A_177, %dma_wait3A_195] : memref<128x256xf32, #tpu.memory_space<hbm>> -> memref<1x256xf32, #tpu.memory_space<hbm>>
          %dma_wait3A_197 = tpu.memref_squeeze %dma_wait3A_196 : memref<1x256xf32, #tpu.memory_space<hbm>> -> memref<256xf32, #tpu.memory_space<hbm>>
          tpu.wait_dma2 semaphore(%run_scoped3A : memref<!tpu.dma_semaphore, #tpu.memory_space<semaphore_mem>>) src(%dma_wait3A_197 : memref<256xf32, #tpu.memory_space<hbm>>) dst(%dma_wait3A_194 : memref<256xf32, #tpu.memory_space<vmem>>)
          tpu.yield
        }) : () -> ()
      } else {
      }
      %eq3A_59 = arith.constant 73 : i32
      %eq3A_60 = arith.cmpi eq, %add3A_37, %eq3A_59 : i32
      %convert_element_type3A_61 = arith.extui %eq3A_60 : i1 to i32
      %cond3A_62 = arith.constant 0 : i32
      %cond3A_63 = arith.cmpi ne, %convert_element_type3A_61, %cond3A_62 : i32
      scf.if %cond3A_63 {
        %mul3A_174 = arith.constant 4 : i32
        %mul3A_175 = arith.muli %add3A, %mul3A_174 : i32
        %add3A_176 = arith.constant 3 : i32
        %add3A_177 = arith.addi %mul3A_175, %add3A_176 : i32
        "tpu.region"() ({
          %run_scoped3A = tpu.sem_alloc : memref<!tpu.dma_semaphore, #tpu.memory_space<semaphore_mem>>
          %dma_start3A_178 = arith.constant 0 : i32
          %dma_start3A_179 = tpu.memref_slice %arg6[%dma_start3A_178] : memref<100224xf32, #tpu.memory_space<vmem>> -> memref<99968xf32, #tpu.memory_space<vmem>>
          %dma_start3A_180 = arith.constant 0 : i32
          %dma_start3A_181 = tpu.memref_slice %arg2[%add3A_177, %dma_start3A_180] : memref<128x100000xf32, #tpu.memory_space<hbm>> -> memref<1x99968xf32, #tpu.memory_space<hbm>>
          %dma_start3A_182 = tpu.memref_squeeze %dma_start3A_181 : memref<1x99968xf32, #tpu.memory_space<hbm>> -> memref<99968xf32, #tpu.memory_space<hbm>>
          %dma_start3A_183 = arith.constant 0 : i32
          %dma_start3A_184 = tpu.memref_slice %arg6[%dma_start3A_183] : memref<100224xf32, #tpu.memory_space<vmem>> -> memref<99968xf32, #tpu.memory_space<vmem>>
          %dma_start3A_185 = arith.constant 0 : i32
          %dma_start3A_186 = tpu.memref_slice %arg2[%add3A_177, %dma_start3A_185] : memref<128x100000xf32, #tpu.memory_space<hbm>> -> memref<1x99968xf32, #tpu.memory_space<hbm>>
          %dma_start3A_187 = tpu.memref_squeeze %dma_start3A_186 : memref<1x99968xf32, #tpu.memory_space<hbm>> -> memref<99968xf32, #tpu.memory_space<hbm>>
          tpu.enqueue_dma source(%dma_start3A_187 : memref<99968xf32, #tpu.memory_space<hbm>>) target(%dma_start3A_184 : memref<99968xf32, #tpu.memory_space<vmem>>) target_semaphore(%run_scoped3A : memref<!tpu.dma_semaphore, #tpu.memory_space<semaphore_mem>>)
          %dma_wait3A_188 = arith.constant 0 : i32
          %dma_wait3A_189 = tpu.memref_slice %arg6[%dma_wait3A_188] : memref<100224xf32, #tpu.memory_space<vmem>> -> memref<99968xf32, #tpu.memory_space<vmem>>
          %dma_wait3A_190 = arith.constant 0 : i32
          %dma_wait3A_191 = tpu.memref_slice %arg2[%add3A_177, %dma_wait3A_190] : memref<128x100000xf32, #tpu.memory_space<hbm>> -> memref<1x99968xf32, #tpu.memory_space<hbm>>
          %dma_wait3A_192 = tpu.memref_squeeze %dma_wait3A_191 : memref<1x99968xf32, #tpu.memory_space<hbm>> -> memref<99968xf32, #tpu.memory_space<hbm>>
          %dma_wait3A_193 = arith.constant 0 : i32
          %dma_wait3A_194 = tpu.memref_slice %arg6[%dma_wait3A_193] : memref<100224xf32, #tpu.memory_space<vmem>> -> memref<99968xf32, #tpu.memory_space<vmem>>
          %dma_wait3A_195 = arith.constant 0 : i32
          %dma_wait3A_196 = tpu.memref_slice %arg2[%add3A_177, %dma_wait3A_195] : memref<128x100000xf32, #tpu.memory_space<hbm>> -> memref<1x99968xf32, #tpu.memory_space<hbm>>
          %dma_wait3A_197 = tpu.memref_squeeze %dma_wait3A_196 : memref<1x99968xf32, #tpu.memory_space<hbm>> -> memref<99968xf32, #tpu.memory_space<hbm>>
          tpu.wait_dma2 semaphore(%run_scoped3A : memref<!tpu.dma_semaphore, #tpu.memory_space<semaphore_mem>>) src(%dma_wait3A_197 : memref<99968xf32, #tpu.memory_space<hbm>>) dst(%dma_wait3A_194 : memref<99968xf32, #tpu.memory_space<vmem>>)
          tpu.yield
        }) : () -> ()
        "tpu.region"() ({
          %run_scoped3A = tpu.sem_alloc : memref<!tpu.dma_semaphore, #tpu.memory_space<semaphore_mem>>
          %dma_start3A_178 = arith.constant 99968 : i32
          %dma_start3A_179 = tpu.memref_slice %arg6[%dma_start3A_178] : memref<100224xf32, #tpu.memory_space<vmem>> -> memref<256xf32, #tpu.memory_space<vmem>>
          %dma_start3A_180 = arith.constant 0 : i32
          %dma_start3A_181 = tpu.memref_slice %arg3[%add3A_177, %dma_start3A_180] : memref<128x256xf32, #tpu.memory_space<hbm>> -> memref<1x256xf32, #tpu.memory_space<hbm>>
          %dma_start3A_182 = tpu.memref_squeeze %dma_start3A_181 : memref<1x256xf32, #tpu.memory_space<hbm>> -> memref<256xf32, #tpu.memory_space<hbm>>
          %dma_start3A_183 = arith.constant 99968 : i32
          %dma_start3A_184 = tpu.memref_slice %arg6[%dma_start3A_183] : memref<100224xf32, #tpu.memory_space<vmem>> -> memref<256xf32, #tpu.memory_space<vmem>>
          %dma_start3A_185 = arith.constant 0 : i32
          %dma_start3A_186 = tpu.memref_slice %arg3[%add3A_177, %dma_start3A_185] : memref<128x256xf32, #tpu.memory_space<hbm>> -> memref<1x256xf32, #tpu.memory_space<hbm>>
          %dma_start3A_187 = tpu.memref_squeeze %dma_start3A_186 : memref<1x256xf32, #tpu.memory_space<hbm>> -> memref<256xf32, #tpu.memory_space<hbm>>
          tpu.enqueue_dma source(%dma_start3A_187 : memref<256xf32, #tpu.memory_space<hbm>>) target(%dma_start3A_184 : memref<256xf32, #tpu.memory_space<vmem>>) target_semaphore(%run_scoped3A : memref<!tpu.dma_semaphore, #tpu.memory_space<semaphore_mem>>)
          %dma_wait3A_188 = arith.constant 99968 : i32
          %dma_wait3A_189 = tpu.memref_slice %arg6[%dma_wait3A_188] : memref<100224xf32, #tpu.memory_space<vmem>> -> memref<256xf32, #tpu.memory_space<vmem>>
          %dma_wait3A_190 = arith.constant 0 : i32
          %dma_wait3A_191 = tpu.memref_slice %arg3[%add3A_177, %dma_wait3A_190] : memref<128x256xf32, #tpu.memory_space<hbm>> -> memref<1x256xf32, #tpu.memory_space<hbm>>
          %dma_wait3A_192 = tpu.memref_squeeze %dma_wait3A_191 : memref<1x256xf32, #tpu.memory_space<hbm>> -> memref<256xf32, #tpu.memory_space<hbm>>
          %dma_wait3A_193 = arith.constant 99968 : i32
          %dma_wait3A_194 = tpu.memref_slice %arg6[%dma_wait3A_193] : memref<100224xf32, #tpu.memory_space<vmem>> -> memref<256xf32, #tpu.memory_space<vmem>>
          %dma_wait3A_195 = arith.constant 0 : i32
          %dma_wait3A_196 = tpu.memref_slice %arg3[%add3A_177, %dma_wait3A_195] : memref<128x256xf32, #tpu.memory_space<hbm>> -> memref<1x256xf32, #tpu.memory_space<hbm>>
          %dma_wait3A_197 = tpu.memref_squeeze %dma_wait3A_196 : memref<1x256xf32, #tpu.memory_space<hbm>> -> memref<256xf32, #tpu.memory_space<hbm>>
          tpu.wait_dma2 semaphore(%run_scoped3A : memref<!tpu.dma_semaphore, #tpu.memory_space<semaphore_mem>>) src(%dma_wait3A_197 : memref<256xf32, #tpu.memory_space<hbm>>) dst(%dma_wait3A_194 : memref<256xf32, #tpu.memory_space<vmem>>)
          tpu.yield
        }) : () -> ()
      } else {
      }
      %eq3A_64 = arith.constant 24 : i32
      %eq3A_65 = arith.cmpi eq, %add3A_37, %eq3A_64 : i32
      %jit3A = arith.constant 106 : i32
      %jit3A_66 = arith.constant 256 : i32
      %select_n3A = arith.select %eq3A_65, %jit3A, %jit3A_66 : i32
      %eq3A_67 = arith.constant 48 : i32
      %eq3A_68 = arith.cmpi eq, %add3A_37, %eq3A_67 : i32
      %jit3A_69 = arith.constant 212 : i32
      %select_n3A_70 = arith.select %eq3A_68, %jit3A_69, %select_n3A : i32
      %eq3A_71 = arith.constant 73 : i32
      %eq3A_72 = arith.cmpi eq, %add3A_37, %eq3A_71 : i32
      %jit3A_73 = arith.constant 62 : i32
      %select_n3A_74 = arith.select %eq3A_72, %jit3A_73, %select_n3A_70 : i32
      %while3A = arith.constant 0 : i32
      %while3A_75 = arith.constant 256 : i32
      %while3A_76 = arith.subi %while3A_75, %select_n3A_74 : i32
      %while3A_77 = arith.addi %select_n3A_74, %while3A_76 : i32
      %while3A_78 = arith.constant 1 : i32
      %while3A_79 = arith.divsi %while3A_76, %while3A_78 : i32
      %while3A_80 = arith.muli %while3A_79, %while3A_78 : i32
      %while3A_81 = arith.addi %select_n3A_74, %while3A_80 : i32
      %while3A_82 = arith.constant 1 : i32
      scf.for %while3A_174 = %select_n3A_74 to %while3A_81 step %while3A_82  : i32 {
        %mul3A_175 = arith.constant 16 : i32
        %mul3A_176 = arith.muli %while3A_174, %mul3A_175 : i32
        %get3A = arith.index_cast %mul3A_176 : i32 to index
        %get3A_177 = tpu.vector_load %arg7[%get3A] {strides = array<i32>} : memref<4096xi32, #tpu.memory_space<vmem>>, vector<16xi32>,
        %and3A = arith.andi %get3A_177, %broadcast_in_dim3A_1 : vector<16xi32>
        %gather3A = tpu.vector_load_idx %arg6[%and3A] : memref<100224xf32, #tpu.memory_space<vmem>>[vector<16xi32>], vector<16xf32>,
        %shift_right_logical3A = arith.constant 17 : i32
        %shift_right_logical3A_178 = vector.broadcast %shift_right_logical3A : i32 to vector<16xi32>
        %shift_right_logical3A_179 = arith.shrui %get3A_177, %shift_right_logical3A_178 : vector<16xi32>
        %add3A_180 = arith.addi %shift_right_logical3A_179, %broadcast_in_dim3A_3 : vector<16xi32>
        %gather3A_181 = tpu.vector_load_idx %arg6[%add3A_180] : memref<100224xf32, #tpu.memory_space<vmem>>[vector<16xi32>], vector<16xf32>,
        %add3A_182 = arith.addf %gather3A, %gather3A_181 : vector<16xf32>
        %swap3A = arith.index_cast %mul3A_176 : i32 to index
        %swap3A_183 = tpu.vector_load %arg9[%swap3A] {strides = array<i32>} : memref<4096xf32, #tpu.memory_space<vmem>>, vector<16xf32>,
        tpu.vector_store %arg9[%swap3A], %add3A_182 {strides = array<i32>} : memref<4096xf32, #tpu.memory_space<vmem>>, vector<16xf32>,
      }
      %while3A_83 = arith.constant 1 : i32
      scf.for %while3A_174 = %while3A_81 to %while3A_77 step %while3A_83  : i32 {
        %mul3A_175 = arith.constant 16 : i32
        %mul3A_176 = arith.muli %while3A_174, %mul3A_175 : i32
        %get3A = arith.index_cast %mul3A_176 : i32 to index
        %get3A_177 = tpu.vector_load %arg7[%get3A] {strides = array<i32>} : memref<4096xi32, #tpu.memory_space<vmem>>, vector<16xi32>,
        %and3A = arith.andi %get3A_177, %broadcast_in_dim3A_1 : vector<16xi32>
        %gather3A = tpu.vector_load_idx %arg6[%and3A] : memref<100224xf32, #tpu.memory_space<vmem>>[vector<16xi32>], vector<16xf32>,
        %shift_right_logical3A = arith.constant 17 : i32
        %shift_right_logical3A_178 = vector.broadcast %shift_right_logical3A : i32 to vector<16xi32>
        %shift_right_logical3A_179 = arith.shrui %get3A_177, %shift_right_logical3A_178 : vector<16xi32>
        %add3A_180 = arith.addi %shift_right_logical3A_179, %broadcast_in_dim3A_3 : vector<16xi32>
        %gather3A_181 = tpu.vector_load_idx %arg6[%add3A_180] : memref<100224xf32, #tpu.memory_space<vmem>>[vector<16xi32>], vector<16xf32>,
        %add3A_182 = arith.addf %gather3A, %gather3A_181 : vector<16xf32>
        %swap3A = arith.index_cast %mul3A_176 : i32 to index
        %swap3A_183 = tpu.vector_load %arg9[%swap3A] {strides = array<i32>} : memref<4096xf32, #tpu.memory_space<vmem>>, vector<16xf32>,
        tpu.vector_store %arg9[%swap3A], %add3A_182 {strides = array<i32>} : memref<4096xf32, #tpu.memory_space<vmem>>, vector<16xf32>,
      }
      %lt3A = arith.constant 97 : i32
      %lt3A_84 = arith.cmpi slt, %add3A_37, %lt3A : i32
      %convert_element_type3A_85 = arith.extui %lt3A_84 : i1 to i32
      %cond3A_86 = arith.constant 0 : i32
      %cond3A_87 = arith.cmpi ne, %convert_element_type3A_85, %cond3A_86 : i32
      scf.if %cond3A_87 {
        %mul3A_174 = arith.constant 4096 : i32
        %mul3A_175 = arith.muli %add3A_37, %mul3A_174 : i32
        %add3A_176 = arith.addi %mul3A_5, %mul3A_175 : i32
        %dma_start3A_177 = tpu.memref_slice %arg5[%add3A_176] : memref<12800000xf32, #tpu.memory_space<hbm>> -> memref<4096xf32, #tpu.memory_space<hbm>>
        %dma_start3A_178 = tpu.memref_slice %arg5[%add3A_176] : memref<12800000xf32, #tpu.memory_space<hbm>> -> memref<4096xf32, #tpu.memory_space<hbm>>
        tpu.enqueue_dma source(%arg9 : memref<4096xf32, #tpu.memory_space<vmem>>) target(%dma_start3A_178 : memref<4096xf32, #tpu.memory_space<hbm>>) target_semaphore(%arg13 : memref<!tpu.dma_semaphore, #tpu.memory_space<semaphore_mem>>)
      } else {
      }
      %eq3A_88 = arith.constant 97 : i32
      %eq3A_89 = arith.cmpi eq, %add3A_37, %eq3A_88 : i32
      %convert_element_type3A_90 = arith.extui %eq3A_89 : i1 to i32
      %cond3A_91 = arith.constant 0 : i32
      %cond3A_92 = arith.cmpi ne, %convert_element_type3A_90, %cond3A_91 : i32
      scf.if %cond3A_92 {
        %mul3A_174 = arith.constant 4096 : i32
        %mul3A_175 = arith.muli %add3A_37, %mul3A_174 : i32
        %add3A_176 = arith.addi %mul3A_5, %mul3A_175 : i32
        %dma_start3A_177 = arith.constant 0 : i32
        %dma_start3A_178 = tpu.memref_slice %arg9[%dma_start3A_177] : memref<4096xf32, #tpu.memory_space<vmem>> -> memref<2688xf32, #tpu.memory_space<vmem>>
        %dma_start3A_179 = tpu.memref_slice %arg5[%add3A_176] : memref<12800000xf32, #tpu.memory_space<hbm>> -> memref<2688xf32, #tpu.memory_space<hbm>>
        %dma_start3A_180 = tpu.memref_slice %arg5[%add3A_176] : memref<12800000xf32, #tpu.memory_space<hbm>> -> memref<2688xf32, #tpu.memory_space<hbm>>
        %dma_start3A_181 = arith.constant 0 : i32
        %dma_start3A_182 = tpu.memref_slice %arg9[%dma_start3A_181] : memref<4096xf32, #tpu.memory_space<vmem>> -> memref<2688xf32, #tpu.memory_space<vmem>>
        tpu.enqueue_dma source(%dma_start3A_182 : memref<2688xf32, #tpu.memory_space<vmem>>) target(%dma_start3A_180 : memref<2688xf32, #tpu.memory_space<hbm>>) target_semaphore(%arg13 : memref<!tpu.dma_semaphore, #tpu.memory_space<semaphore_mem>>)
      } else {
      }
      %add3A_93 = arith.constant 2 : i32
      %add3A_94 = arith.addi %add3A_37, %add3A_93 : i32
      %lt3A_95 = arith.constant 98 : i32
      %lt3A_96 = arith.cmpi slt, %add3A_94, %lt3A_95 : i32
      %convert_element_type3A_97 = arith.extui %lt3A_96 : i1 to i32
      %cond3A_98 = arith.constant 0 : i32
      %cond3A_99 = arith.cmpi ne, %convert_element_type3A_97, %cond3A_98 : i32
      scf.if %cond3A_99 {
        %add3A_174 = arith.constant 2 : i32
        %add3A_175 = arith.addi %add3A_37, %add3A_174 : i32
        %mul3A_176 = arith.constant 4096 : i32
        %mul3A_177 = arith.muli %add3A_175, %mul3A_176 : i32
        %dma_start3A_178 = tpu.memref_slice %arg4[%mul3A_177] : memref<401408xi32, #tpu.memory_space<hbm>> -> memref<4096xi32, #tpu.memory_space<hbm>>
        %dma_start3A_179 = tpu.memref_slice %arg4[%mul3A_177] : memref<401408xi32, #tpu.memory_space<hbm>> -> memref<4096xi32, #tpu.memory_space<hbm>>
        tpu.enqueue_dma source(%dma_start3A_179 : memref<4096xi32, #tpu.memory_space<hbm>>) target(%arg7 : memref<4096xi32, #tpu.memory_space<vmem>>) target_semaphore(%arg11 : memref<!tpu.dma_semaphore, #tpu.memory_space<semaphore_mem>>)
      } else {
      }
      %mul3A_100 = arith.constant 2 : i32
      %mul3A_101 = arith.muli %mul3A_100, %scan3A_33 : i32
      %add3A_102 = arith.constant 1 : i32
      %add3A_103 = arith.addi %mul3A_101, %add3A_102 : i32
      %mul3A_104 = arith.constant 4096 : i32
      %mul3A_105 = arith.muli %add3A_103, %mul3A_104 : i32
      %dma_wait3A_106 = tpu.memref_slice %arg4[%mul3A_105] : memref<401408xi32, #tpu.memory_space<hbm>> -> memref<4096xi32, #tpu.memory_space<hbm>>
      %dma_wait3A_107 = tpu.memref_slice %arg4[%mul3A_105] : memref<401408xi32, #tpu.memory_space<hbm>> -> memref<4096xi32, #tpu.memory_space<hbm>>
      tpu.wait_dma2 semaphore(%arg12 : memref<!tpu.dma_semaphore, #tpu.memory_space<semaphore_mem>>) src(%dma_wait3A_107 : memref<4096xi32, #tpu.memory_space<hbm>>) dst(%arg8 : memref<4096xi32, #tpu.memory_space<vmem>>)
      %gt3A_108 = arith.constant 0 : i32
      %gt3A_109 = arith.cmpi sgt, %scan3A_33, %gt3A_108 : i32
      %convert_element_type3A_110 = arith.extui %gt3A_109 : i1 to i32
      %cond3A_111 = arith.constant 0 : i32
      %cond3A_112 = arith.cmpi ne, %convert_element_type3A_110, %cond3A_111 : i32
      scf.if %cond3A_112 {
        %sub3A = arith.constant 2 : i32
        %sub3A_174 = arith.subi %add3A_103, %sub3A : i32
        %mul3A_175 = arith.constant 4096 : i32
        %mul3A_176 = arith.muli %sub3A_174, %mul3A_175 : i32
        %add3A_177 = arith.addi %mul3A_5, %mul3A_176 : i32
        %dma_wait3A_178 = tpu.memref_slice %arg5[%add3A_177] : memref<12800000xf32, #tpu.memory_space<hbm>> -> memref<4096xf32, #tpu.memory_space<hbm>>
        %dma_wait3A_179 = tpu.memref_slice %arg5[%add3A_177] : memref<12800000xf32, #tpu.memory_space<hbm>> -> memref<4096xf32, #tpu.memory_space<hbm>>
        tpu.wait_dma2 semaphore(%arg14 : memref<!tpu.dma_semaphore, #tpu.memory_space<semaphore_mem>>) src(%arg10 : memref<4096xf32, #tpu.memory_space<vmem>>) dst(%dma_wait3A_179 : memref<4096xf32, #tpu.memory_space<hbm>>)
      } else {
      }
      %scan3A_113 = arith.constant 0 : i32
      %scan3A_114 = arith.constant 0 : i32
      %scan3A_115 = arith.constant 16 : i32
      %scan3A_116 = arith.addi %scan3A_114, %scan3A_115 : i32
      %scan3A_117 = arith.constant 1 : i32
      scf.for %scan3A_174 = %scan3A_114 to %scan3A_116 step %scan3A_117  : i32 {
        %mul3A_175 = arith.constant 16 : i32
        %mul3A_176 = arith.muli %scan3A_174, %mul3A_175 : i32
        %add3A_177 = arith.constant 0 : i32
        %add3A_178 = arith.addi %mul3A_176, %add3A_177 : i32
        %mul3A_179 = arith.constant 16 : i32
        %mul3A_180 = arith.muli %add3A_178, %mul3A_179 : i32
        %get3A = arith.index_cast %mul3A_180 : i32 to index
        %get3A_181 = tpu.vector_load %arg8[%get3A] {strides = array<i32>} : memref<4096xi32, #tpu.memory_space<vmem>>, vector<16xi32>,
        %and3A = arith.andi %get3A_181, %broadcast_in_dim3A_1 : vector<16xi32>
        %gather3A = tpu.vector_load_idx %arg6[%and3A] : memref<100224xf32, #tpu.memory_space<vmem>>[vector<16xi32>], vector<16xf32>,
        %shift_right_logical3A = arith.constant 17 : i32
        %shift_right_logical3A_182 = vector.broadcast %shift_right_logical3A : i32 to vector<16xi32>
        %shift_right_logical3A_183 = arith.shrui %get3A_181, %shift_right_logical3A_182 : vector<16xi32>
        %add3A_184 = arith.addi %shift_right_logical3A_183, %broadcast_in_dim3A_3 : vector<16xi32>
        %gather3A_185 = tpu.vector_load_idx %arg6[%add3A_184] : memref<100224xf32, #tpu.memory_space<vmem>>[vector<16xi32>], vector<16xf32>,
        %add3A_186 = arith.addf %gather3A, %gather3A_185 : vector<16xf32>
        %swap3A = arith.index_cast %mul3A_180 : i32 to index
        %swap3A_187 = tpu.vector_load %arg10[%swap3A] {strides = array<i32>} : memref<4096xf32, #tpu.memory_space<vmem>>, vector<16xf32>,
        tpu.vector_store %arg10[%swap3A], %add3A_186 {strides = array<i32>} : memref<4096xf32, #tpu.memory_space<vmem>>, vector<16xf32>,
        %mul3A_188 = arith.constant 16 : i32
        %mul3A_189 = arith.muli %scan3A_174, %mul3A_188 : i32
        %add3A_190 = arith.constant 1 : i32
        %add3A_191 = arith.addi %mul3A_189, %add3A_190 : i32
        %mul3A_192 = arith.constant 16 : i32
        %mul3A_193 = arith.muli %add3A_191, %mul3A_192 : i32
        %get3A_194 = arith.index_cast %mul3A_193 : i32 to index
        %get3A_195 = tpu.vector_load %arg8[%get3A_194] {strides = array<i32>} : memref<4096xi32, #tpu.memory_space<vmem>>, vector<16xi32>,
        %and3A_196 = arith.andi %get3A_195, %broadcast_in_dim3A_1 : vector<16xi32>
        %gather3A_197 = tpu.vector_load_idx %arg6[%and3A_196] : memref<100224xf32, #tpu.memory_space<vmem>>[vector<16xi32>], vector<16xf32>,
        %shift_right_logical3A_198 = arith.constant 17 : i32
        %shift_right_logical3A_199 = vector.broadcast %shift_right_logical3A_198 : i32 to vector<16xi32>
        %shift_right_logical3A_200 = arith.shrui %get3A_195, %shift_right_logical3A_199 : vector<16xi32>
        %add3A_201 = arith.addi %shift_right_logical3A_200, %broadcast_in_dim3A_3 : vector<16xi32>
        %gather3A_202 = tpu.vector_load_idx %arg6[%add3A_201] : memref<100224xf32, #tpu.memory_space<vmem>>[vector<16xi32>], vector<16xf32>,
        %add3A_203 = arith.addf %gather3A_197, %gather3A_202 : vector<16xf32>
        %swap3A_204 = arith.index_cast %mul3A_193 : i32 to index
        %swap3A_205 = tpu.vector_load %arg10[%swap3A_204] {strides = array<i32>} : memref<4096xf32, #tpu.memory_space<vmem>>, vector<16xf32>,
        tpu.vector_store %arg10[%swap3A_204], %add3A_203 {strides = array<i32>} : memref<4096xf32, #tpu.memory_space<vmem>>, vector<16xf32>,
        %mul3A_206 = arith.constant 16 : i32
        %mul3A_207 = arith.muli %scan3A_174, %mul3A_206 : i32
        %add3A_208 = arith.constant 2 : i32
        %add3A_209 = arith.addi %mul3A_207, %add3A_208 : i32
        %mul3A_210 = arith.constant 16 : i32
        %mul3A_211 = arith.muli %add3A_209, %mul3A_210 : i32
        %get3A_212 = arith.index_cast %mul3A_211 : i32 to index
        %get3A_213 = tpu.vector_load %arg8[%get3A_212] {strides = array<i32>} : memref<4096xi32, #tpu.memory_space<vmem>>, vector<16xi32>,
        %and3A_214 = arith.andi %get3A_213, %broadcast_in_dim3A_1 : vector<16xi32>
        %gather3A_215 = tpu.vector_load_idx %arg6[%and3A_214] : memref<100224xf32, #tpu.memory_space<vmem>>[vector<16xi32>], vector<16xf32>,
        %shift_right_logical3A_216 = arith.constant 17 : i32
        %shift_right_logical3A_217 = vector.broadcast %shift_right_logical3A_216 : i32 to vector<16xi32>
        %shift_right_logical3A_218 = arith.shrui %get3A_213, %shift_right_logical3A_217 : vector<16xi32>
        %add3A_219 = arith.addi %shift_right_logical3A_218, %broadcast_in_dim3A_3 : vector<16xi32>
        %gather3A_220 = tpu.vector_load_idx %arg6[%add3A_219] : memref<100224xf32, #tpu.memory_space<vmem>>[vector<16xi32>], vector<16xf32>,
        %add3A_221 = arith.addf %gather3A_215, %gather3A_220 : vector<16xf32>
        %swap3A_222 = arith.index_cast %mul3A_211 : i32 to index
        %swap3A_223 = tpu.vector_load %arg10[%swap3A_222] {strides = array<i32>} : memref<4096xf32, #tpu.memory_space<vmem>>, vector<16xf32>,
        tpu.vector_store %arg10[%swap3A_222], %add3A_221 {strides = array<i32>} : memref<4096xf32, #tpu.memory_space<vmem>>, vector<16xf32>,
        %mul3A_224 = arith.constant 16 : i32
        %mul3A_225 = arith.muli %scan3A_174, %mul3A_224 : i32
        %add3A_226 = arith.constant 3 : i32
        %add3A_227 = arith.addi %mul3A_225, %add3A_226 : i32
        %mul3A_228 = arith.constant 16 : i32
        %mul3A_229 = arith.muli %add3A_227, %mul3A_228 : i32
        %get3A_230 = arith.index_cast %mul3A_229 : i32 to index
        %get3A_231 = tpu.vector_load %arg8[%get3A_230] {strides = array<i32>} : memref<4096xi32, #tpu.memory_space<vmem>>, vector<16xi32>,
        %and3A_232 = arith.andi %get3A_231, %broadcast_in_dim3A_1 : vector<16xi32>
        %gather3A_233 = tpu.vector_load_idx %arg6[%and3A_232] : memref<100224xf32, #tpu.memory_space<vmem>>[vector<16xi32>], vector<16xf32>,
        %shift_right_logical3A_234 = arith.constant 17 : i32
        %shift_right_logical3A_235 = vector.broadcast %shift_right_logical3A_234 : i32 to vector<16xi32>
        %shift_right_logical3A_236 = arith.shrui %get3A_231, %shift_right_logical3A_235 : vector<16xi32>
        %add3A_237 = arith.addi %shift_right_logical3A_236, %broadcast_in_dim3A_3 : vector<16xi32>
        %gather3A_238 = tpu.vector_load_idx %arg6[%add3A_237] : memref<100224xf32, #tpu.memory_space<vmem>>[vector<16xi32>], vector<16xf32>,
        %add3A_239 = arith.addf %gather3A_233, %gather3A_238 : vector<16xf32>
        %swap3A_240 = arith.index_cast %mul3A_229 : i32 to index
        %swap3A_241 = tpu.vector_load %arg10[%swap3A_240] {strides = array<i32>} : memref<4096xf32, #tpu.memory_space<vmem>>, vector<16xf32>,
        tpu.vector_store %arg10[%swap3A_240], %add3A_239 {strides = array<i32>} : memref<4096xf32, #tpu.memory_space<vmem>>, vector<16xf32>,
        %mul3A_242 = arith.constant 16 : i32
        %mul3A_243 = arith.muli %scan3A_174, %mul3A_242 : i32
        %add3A_244 = arith.constant 4 : i32
        %add3A_245 = arith.addi %mul3A_243, %add3A_244 : i32
        %mul3A_246 = arith.constant 16 : i32
        %mul3A_247 = arith.muli %add3A_245, %mul3A_246 : i32
        %get3A_248 = arith.index_cast %mul3A_247 : i32 to index
        %get3A_249 = tpu.vector_load %arg8[%get3A_248] {strides = array<i32>} : memref<4096xi32, #tpu.memory_space<vmem>>, vector<16xi32>,
        %and3A_250 = arith.andi %get3A_249, %broadcast_in_dim3A_1 : vector<16xi32>
        %gather3A_251 = tpu.vector_load_idx %arg6[%and3A_250] : memref<100224xf32, #tpu.memory_space<vmem>>[vector<16xi32>], vector<16xf32>,
        %shift_right_logical3A_252 = arith.constant 17 : i32
        %shift_right_logical3A_253 = vector.broadcast %shift_right_logical3A_252 : i32 to vector<16xi32>
        %shift_right_logical3A_254 = arith.shrui %get3A_249, %shift_right_logical3A_253 : vector<16xi32>
        %add3A_255 = arith.addi %shift_right_logical3A_254, %broadcast_in_dim3A_3 : vector<16xi32>
        %gather3A_256 = tpu.vector_load_idx %arg6[%add3A_255] : memref<100224xf32, #tpu.memory_space<vmem>>[vector<16xi32>], vector<16xf32>,
        %add3A_257 = arith.addf %gather3A_251, %gather3A_256 : vector<16xf32>
        %swap3A_258 = arith.index_cast %mul3A_247 : i32 to index
        %swap3A_259 = tpu.vector_load %arg10[%swap3A_258] {strides = array<i32>} : memref<4096xf32, #tpu.memory_space<vmem>>, vector<16xf32>,
        tpu.vector_store %arg10[%swap3A_258], %add3A_257 {strides = array<i32>} : memref<4096xf32, #tpu.memory_space<vmem>>, vector<16xf32>,
        %mul3A_260 = arith.constant 16 : i32
        %mul3A_261 = arith.muli %scan3A_174, %mul3A_260 : i32
        %add3A_262 = arith.constant 5 : i32
        %add3A_263 = arith.addi %mul3A_261, %add3A_262 : i32
        %mul3A_264 = arith.constant 16 : i32
        %mul3A_265 = arith.muli %add3A_263, %mul3A_264 : i32
        %get3A_266 = arith.index_cast %mul3A_265 : i32 to index
        %get3A_267 = tpu.vector_load %arg8[%get3A_266] {strides = array<i32>} : memref<4096xi32, #tpu.memory_space<vmem>>, vector<16xi32>,
        %and3A_268 = arith.andi %get3A_267, %broadcast_in_dim3A_1 : vector<16xi32>
        %gather3A_269 = tpu.vector_load_idx %arg6[%and3A_268] : memref<100224xf32, #tpu.memory_space<vmem>>[vector<16xi32>], vector<16xf32>,
        %shift_right_logical3A_270 = arith.constant 17 : i32
        %shift_right_logical3A_271 = vector.broadcast %shift_right_logical3A_270 : i32 to vector<16xi32>
        %shift_right_logical3A_272 = arith.shrui %get3A_267, %shift_right_logical3A_271 : vector<16xi32>
        %add3A_273 = arith.addi %shift_right_logical3A_272, %broadcast_in_dim3A_3 : vector<16xi32>
        %gather3A_274 = tpu.vector_load_idx %arg6[%add3A_273] : memref<100224xf32, #tpu.memory_space<vmem>>[vector<16xi32>], vector<16xf32>,
        %add3A_275 = arith.addf %gather3A_269, %gather3A_274 : vector<16xf32>
        %swap3A_276 = arith.index_cast %mul3A_265 : i32 to index
        %swap3A_277 = tpu.vector_load %arg10[%swap3A_276] {strides = array<i32>} : memref<4096xf32, #tpu.memory_space<vmem>>, vector<16xf32>,
        tpu.vector_store %arg10[%swap3A_276], %add3A_275 {strides = array<i32>} : memref<4096xf32, #tpu.memory_space<vmem>>, vector<16xf32>,
        %mul3A_278 = arith.constant 16 : i32
        %mul3A_279 = arith.muli %scan3A_174, %mul3A_278 : i32
        %add3A_280 = arith.constant 6 : i32
        %add3A_281 = arith.addi %mul3A_279, %add3A_280 : i32
        %mul3A_282 = arith.constant 16 : i32
        %mul3A_283 = arith.muli %add3A_281, %mul3A_282 : i32
        %get3A_284 = arith.index_cast %mul3A_283 : i32 to index
        %get3A_285 = tpu.vector_load %arg8[%get3A_284] {strides = array<i32>} : memref<4096xi32, #tpu.memory_space<vmem>>, vector<16xi32>,
        %and3A_286 = arith.andi %get3A_285, %broadcast_in_dim3A_1 : vector<16xi32>
        %gather3A_287 = tpu.vector_load_idx %arg6[%and3A_286] : memref<100224xf32, #tpu.memory_space<vmem>>[vector<16xi32>], vector<16xf32>,
        %shift_right_logical3A_288 = arith.constant 17 : i32
        %shift_right_logical3A_289 = vector.broadcast %shift_right_logical3A_288 : i32 to vector<16xi32>
        %shift_right_logical3A_290 = arith.shrui %get3A_285, %shift_right_logical3A_289 : vector<16xi32>
        %add3A_291 = arith.addi %shift_right_logical3A_290, %broadcast_in_dim3A_3 : vector<16xi32>
        %gather3A_292 = tpu.vector_load_idx %arg6[%add3A_291] : memref<100224xf32, #tpu.memory_space<vmem>>[vector<16xi32>], vector<16xf32>,
        %add3A_293 = arith.addf %gather3A_287, %gather3A_292 : vector<16xf32>
        %swap3A_294 = arith.index_cast %mul3A_283 : i32 to index
        %swap3A_295 = tpu.vector_load %arg10[%swap3A_294] {strides = array<i32>} : memref<4096xf32, #tpu.memory_space<vmem>>, vector<16xf32>,
        tpu.vector_store %arg10[%swap3A_294], %add3A_293 {strides = array<i32>} : memref<4096xf32, #tpu.memory_space<vmem>>, vector<16xf32>,
        %mul3A_296 = arith.constant 16 : i32
        %mul3A_297 = arith.muli %scan3A_174, %mul3A_296 : i32
        %add3A_298 = arith.constant 7 : i32
        %add3A_299 = arith.addi %mul3A_297, %add3A_298 : i32
        %mul3A_300 = arith.constant 16 : i32
        %mul3A_301 = arith.muli %add3A_299, %mul3A_300 : i32
        %get3A_302 = arith.index_cast %mul3A_301 : i32 to index
        %get3A_303 = tpu.vector_load %arg8[%get3A_302] {strides = array<i32>} : memref<4096xi32, #tpu.memory_space<vmem>>, vector<16xi32>,
        %and3A_304 = arith.andi %get3A_303, %broadcast_in_dim3A_1 : vector<16xi32>
        %gather3A_305 = tpu.vector_load_idx %arg6[%and3A_304] : memref<100224xf32, #tpu.memory_space<vmem>>[vector<16xi32>], vector<16xf32>,
        %shift_right_logical3A_306 = arith.constant 17 : i32
        %shift_right_logical3A_307 = vector.broadcast %shift_right_logical3A_306 : i32 to vector<16xi32>
        %shift_right_logical3A_308 = arith.shrui %get3A_303, %shift_right_logical3A_307 : vector<16xi32>
        %add3A_309 = arith.addi %shift_right_logical3A_308, %broadcast_in_dim3A_3 : vector<16xi32>
        %gather3A_310 = tpu.vector_load_idx %arg6[%add3A_309] : memref<100224xf32, #tpu.memory_space<vmem>>[vector<16xi32>], vector<16xf32>,
        %add3A_311 = arith.addf %gather3A_305, %gather3A_310 : vector<16xf32>
        %swap3A_312 = arith.index_cast %mul3A_301 : i32 to index
        %swap3A_313 = tpu.vector_load %arg10[%swap3A_312] {strides = array<i32>} : memref<4096xf32, #tpu.memory_space<vmem>>, vector<16xf32>,
        tpu.vector_store %arg10[%swap3A_312], %add3A_311 {strides = array<i32>} : memref<4096xf32, #tpu.memory_space<vmem>>, vector<16xf32>,
        %mul3A_314 = arith.constant 16 : i32
        %mul3A_315 = arith.muli %scan3A_174, %mul3A_314 : i32
        %add3A_316 = arith.constant 8 : i32
        %add3A_317 = arith.addi %mul3A_315, %add3A_316 : i32
        %mul3A_318 = arith.constant 16 : i32
        %mul3A_319 = arith.muli %add3A_317, %mul3A_318 : i32
        %get3A_320 = arith.index_cast %mul3A_319 : i32 to index
        %get3A_321 = tpu.vector_load %arg8[%get3A_320] {strides = array<i32>} : memref<4096xi32, #tpu.memory_space<vmem>>, vector<16xi32>,
        %and3A_322 = arith.andi %get3A_321, %broadcast_in_dim3A_1 : vector<16xi32>
        %gather3A_323 = tpu.vector_load_idx %arg6[%and3A_322] : memref<100224xf32, #tpu.memory_space<vmem>>[vector<16xi32>], vector<16xf32>,
        %shift_right_logical3A_324 = arith.constant 17 : i32
        %shift_right_logical3A_325 = vector.broadcast %shift_right_logical3A_324 : i32 to vector<16xi32>
        %shift_right_logical3A_326 = arith.shrui %get3A_321, %shift_right_logical3A_325 : vector<16xi32>
        %add3A_327 = arith.addi %shift_right_logical3A_326, %broadcast_in_dim3A_3 : vector<16xi32>
        %gather3A_328 = tpu.vector_load_idx %arg6[%add3A_327] : memref<100224xf32, #tpu.memory_space<vmem>>[vector<16xi32>], vector<16xf32>,
        %add3A_329 = arith.addf %gather3A_323, %gather3A_328 : vector<16xf32>
        %swap3A_330 = arith.index_cast %mul3A_319 : i32 to index
        %swap3A_331 = tpu.vector_load %arg10[%swap3A_330] {strides = array<i32>} : memref<4096xf32, #tpu.memory_space<vmem>>, vector<16xf32>,
        tpu.vector_store %arg10[%swap3A_330], %add3A_329 {strides = array<i32>} : memref<4096xf32, #tpu.memory_space<vmem>>, vector<16xf32>,
        %mul3A_332 = arith.constant 16 : i32
        %mul3A_333 = arith.muli %scan3A_174, %mul3A_332 : i32
        %add3A_334 = arith.constant 9 : i32
        %add3A_335 = arith.addi %mul3A_333, %add3A_334 : i32
        %mul3A_336 = arith.constant 16 : i32
        %mul3A_337 = arith.muli %add3A_335, %mul3A_336 : i32
        %get3A_338 = arith.index_cast %mul3A_337 : i32 to index
        %get3A_339 = tpu.vector_load %arg8[%get3A_338] {strides = array<i32>} : memref<4096xi32, #tpu.memory_space<vmem>>, vector<16xi32>,
        %and3A_340 = arith.andi %get3A_339, %broadcast_in_dim3A_1 : vector<16xi32>
        %gather3A_341 = tpu.vector_load_idx %arg6[%and3A_340] : memref<100224xf32, #tpu.memory_space<vmem>>[vector<16xi32>], vector<16xf32>,
        %shift_right_logical3A_342 = arith.constant 17 : i32
        %shift_right_logical3A_343 = vector.broadcast %shift_right_logical3A_342 : i32 to vector<16xi32>
        %shift_right_logical3A_344 = arith.shrui %get3A_339, %shift_right_logical3A_343 : vector<16xi32>
        %add3A_345 = arith.addi %shift_right_logical3A_344, %broadcast_in_dim3A_3 : vector<16xi32>
        %gather3A_346 = tpu.vector_load_idx %arg6[%add3A_345] : memref<100224xf32, #tpu.memory_space<vmem>>[vector<16xi32>], vector<16xf32>,
        %add3A_347 = arith.addf %gather3A_341, %gather3A_346 : vector<16xf32>
        %swap3A_348 = arith.index_cast %mul3A_337 : i32 to index
        %swap3A_349 = tpu.vector_load %arg10[%swap3A_348] {strides = array<i32>} : memref<4096xf32, #tpu.memory_space<vmem>>, vector<16xf32>,
        tpu.vector_store %arg10[%swap3A_348], %add3A_347 {strides = array<i32>} : memref<4096xf32, #tpu.memory_space<vmem>>, vector<16xf32>,
        %mul3A_350 = arith.constant 16 : i32
        %mul3A_351 = arith.muli %scan3A_174, %mul3A_350 : i32
        %add3A_352 = arith.constant 10 : i32
        %add3A_353 = arith.addi %mul3A_351, %add3A_352 : i32
        %mul3A_354 = arith.constant 16 : i32
        %mul3A_355 = arith.muli %add3A_353, %mul3A_354 : i32
        %get3A_356 = arith.index_cast %mul3A_355 : i32 to index
        %get3A_357 = tpu.vector_load %arg8[%get3A_356] {strides = array<i32>} : memref<4096xi32, #tpu.memory_space<vmem>>, vector<16xi32>,
        %and3A_358 = arith.andi %get3A_357, %broadcast_in_dim3A_1 : vector<16xi32>
        %gather3A_359 = tpu.vector_load_idx %arg6[%and3A_358] : memref<100224xf32, #tpu.memory_space<vmem>>[vector<16xi32>], vector<16xf32>,
        %shift_right_logical3A_360 = arith.constant 17 : i32
        %shift_right_logical3A_361 = vector.broadcast %shift_right_logical3A_360 : i32 to vector<16xi32>
        %shift_right_logical3A_362 = arith.shrui %get3A_357, %shift_right_logical3A_361 : vector<16xi32>
        %add3A_363 = arith.addi %shift_right_logical3A_362, %broadcast_in_dim3A_3 : vector<16xi32>
        %gather3A_364 = tpu.vector_load_idx %arg6[%add3A_363] : memref<100224xf32, #tpu.memory_space<vmem>>[vector<16xi32>], vector<16xf32>,
        %add3A_365 = arith.addf %gather3A_359, %gather3A_364 : vector<16xf32>
        %swap3A_366 = arith.index_cast %mul3A_355 : i32 to index
        %swap3A_367 = tpu.vector_load %arg10[%swap3A_366] {strides = array<i32>} : memref<4096xf32, #tpu.memory_space<vmem>>, vector<16xf32>,
        tpu.vector_store %arg10[%swap3A_366], %add3A_365 {strides = array<i32>} : memref<4096xf32, #tpu.memory_space<vmem>>, vector<16xf32>,
        %mul3A_368 = arith.constant 16 : i32
        %mul3A_369 = arith.muli %scan3A_174, %mul3A_368 : i32
        %add3A_370 = arith.constant 11 : i32
        %add3A_371 = arith.addi %mul3A_369, %add3A_370 : i32
        %mul3A_372 = arith.constant 16 : i32
        %mul3A_373 = arith.muli %add3A_371, %mul3A_372 : i32
        %get3A_374 = arith.index_cast %mul3A_373 : i32 to index
        %get3A_375 = tpu.vector_load %arg8[%get3A_374] {strides = array<i32>} : memref<4096xi32, #tpu.memory_space<vmem>>, vector<16xi32>,
        %and3A_376 = arith.andi %get3A_375, %broadcast_in_dim3A_1 : vector<16xi32>
        %gather3A_377 = tpu.vector_load_idx %arg6[%and3A_376] : memref<100224xf32, #tpu.memory_space<vmem>>[vector<16xi32>], vector<16xf32>,
        %shift_right_logical3A_378 = arith.constant 17 : i32
        %shift_right_logical3A_379 = vector.broadcast %shift_right_logical3A_378 : i32 to vector<16xi32>
        %shift_right_logical3A_380 = arith.shrui %get3A_375, %shift_right_logical3A_379 : vector<16xi32>
        %add3A_381 = arith.addi %shift_right_logical3A_380, %broadcast_in_dim3A_3 : vector<16xi32>
        %gather3A_382 = tpu.vector_load_idx %arg6[%add3A_381] : memref<100224xf32, #tpu.memory_space<vmem>>[vector<16xi32>], vector<16xf32>,
        %add3A_383 = arith.addf %gather3A_377, %gather3A_382 : vector<16xf32>
        %swap3A_384 = arith.index_cast %mul3A_373 : i32 to index
        %swap3A_385 = tpu.vector_load %arg10[%swap3A_384] {strides = array<i32>} : memref<4096xf32, #tpu.memory_space<vmem>>, vector<16xf32>,
        tpu.vector_store %arg10[%swap3A_384], %add3A_383 {strides = array<i32>} : memref<4096xf32, #tpu.memory_space<vmem>>, vector<16xf32>,
        %mul3A_386 = arith.constant 16 : i32
        %mul3A_387 = arith.muli %scan3A_174, %mul3A_386 : i32
        %add3A_388 = arith.constant 12 : i32
        %add3A_389 = arith.addi %mul3A_387, %add3A_388 : i32
        %mul3A_390 = arith.constant 16 : i32
        %mul3A_391 = arith.muli %add3A_389, %mul3A_390 : i32
        %get3A_392 = arith.index_cast %mul3A_391 : i32 to index
        %get3A_393 = tpu.vector_load %arg8[%get3A_392] {strides = array<i32>} : memref<4096xi32, #tpu.memory_space<vmem>>, vector<16xi32>,
        %and3A_394 = arith.andi %get3A_393, %broadcast_in_dim3A_1 : vector<16xi32>
        %gather3A_395 = tpu.vector_load_idx %arg6[%and3A_394] : memref<100224xf32, #tpu.memory_space<vmem>>[vector<16xi32>], vector<16xf32>,
        %shift_right_logical3A_396 = arith.constant 17 : i32
        %shift_right_logical3A_397 = vector.broadcast %shift_right_logical3A_396 : i32 to vector<16xi32>
        %shift_right_logical3A_398 = arith.shrui %get3A_393, %shift_right_logical3A_397 : vector<16xi32>
        %add3A_399 = arith.addi %shift_right_logical3A_398, %broadcast_in_dim3A_3 : vector<16xi32>
        %gather3A_400 = tpu.vector_load_idx %arg6[%add3A_399] : memref<100224xf32, #tpu.memory_space<vmem>>[vector<16xi32>], vector<16xf32>,
        %add3A_401 = arith.addf %gather3A_395, %gather3A_400 : vector<16xf32>
        %swap3A_402 = arith.index_cast %mul3A_391 : i32 to index
        %swap3A_403 = tpu.vector_load %arg10[%swap3A_402] {strides = array<i32>} : memref<4096xf32, #tpu.memory_space<vmem>>, vector<16xf32>,
        tpu.vector_store %arg10[%swap3A_402], %add3A_401 {strides = array<i32>} : memref<4096xf32, #tpu.memory_space<vmem>>, vector<16xf32>,
        %mul3A_404 = arith.constant 16 : i32
        %mul3A_405 = arith.muli %scan3A_174, %mul3A_404 : i32
        %add3A_406 = arith.constant 13 : i32
        %add3A_407 = arith.addi %mul3A_405, %add3A_406 : i32
        %mul3A_408 = arith.constant 16 : i32
        %mul3A_409 = arith.muli %add3A_407, %mul3A_408 : i32
        %get3A_410 = arith.index_cast %mul3A_409 : i32 to index
        %get3A_411 = tpu.vector_load %arg8[%get3A_410] {strides = array<i32>} : memref<4096xi32, #tpu.memory_space<vmem>>, vector<16xi32>,
        %and3A_412 = arith.andi %get3A_411, %broadcast_in_dim3A_1 : vector<16xi32>
        %gather3A_413 = tpu.vector_load_idx %arg6[%and3A_412] : memref<100224xf32, #tpu.memory_space<vmem>>[vector<16xi32>], vector<16xf32>,
        %shift_right_logical3A_414 = arith.constant 17 : i32
        %shift_right_logical3A_415 = vector.broadcast %shift_right_logical3A_414 : i32 to vector<16xi32>
        %shift_right_logical3A_416 = arith.shrui %get3A_411, %shift_right_logical3A_415 : vector<16xi32>
        %add3A_417 = arith.addi %shift_right_logical3A_416, %broadcast_in_dim3A_3 : vector<16xi32>
        %gather3A_418 = tpu.vector_load_idx %arg6[%add3A_417] : memref<100224xf32, #tpu.memory_space<vmem>>[vector<16xi32>], vector<16xf32>,
        %add3A_419 = arith.addf %gather3A_413, %gather3A_418 : vector<16xf32>
        %swap3A_420 = arith.index_cast %mul3A_409 : i32 to index
        %swap3A_421 = tpu.vector_load %arg10[%swap3A_420] {strides = array<i32>} : memref<4096xf32, #tpu.memory_space<vmem>>, vector<16xf32>,
        tpu.vector_store %arg10[%swap3A_420], %add3A_419 {strides = array<i32>} : memref<4096xf32, #tpu.memory_space<vmem>>, vector<16xf32>,
        %mul3A_422 = arith.constant 16 : i32
        %mul3A_423 = arith.muli %scan3A_174, %mul3A_422 : i32
        %add3A_424 = arith.constant 14 : i32
        %add3A_425 = arith.addi %mul3A_423, %add3A_424 : i32
        %mul3A_426 = arith.constant 16 : i32
        %mul3A_427 = arith.muli %add3A_425, %mul3A_426 : i32
        %get3A_428 = arith.index_cast %mul3A_427 : i32 to index
        %get3A_429 = tpu.vector_load %arg8[%get3A_428] {strides = array<i32>} : memref<4096xi32, #tpu.memory_space<vmem>>, vector<16xi32>,
        %and3A_430 = arith.andi %get3A_429, %broadcast_in_dim3A_1 : vector<16xi32>
        %gather3A_431 = tpu.vector_load_idx %arg6[%and3A_430] : memref<100224xf32, #tpu.memory_space<vmem>>[vector<16xi32>], vector<16xf32>,
        %shift_right_logical3A_432 = arith.constant 17 : i32
        %shift_right_logical3A_433 = vector.broadcast %shift_right_logical3A_432 : i32 to vector<16xi32>
        %shift_right_logical3A_434 = arith.shrui %get3A_429, %shift_right_logical3A_433 : vector<16xi32>
        %add3A_435 = arith.addi %shift_right_logical3A_434, %broadcast_in_dim3A_3 : vector<16xi32>
        %gather3A_436 = tpu.vector_load_idx %arg6[%add3A_435] : memref<100224xf32, #tpu.memory_space<vmem>>[vector<16xi32>], vector<16xf32>,
        %add3A_437 = arith.addf %gather3A_431, %gather3A_436 : vector<16xf32>
        %swap3A_438 = arith.index_cast %mul3A_427 : i32 to index
        %swap3A_439 = tpu.vector_load %arg10[%swap3A_438] {strides = array<i32>} : memref<4096xf32, #tpu.memory_space<vmem>>, vector<16xf32>,
        tpu.vector_store %arg10[%swap3A_438], %add3A_437 {strides = array<i32>} : memref<4096xf32, #tpu.memory_space<vmem>>, vector<16xf32>,
        %mul3A_440 = arith.constant 16 : i32
        %mul3A_441 = arith.muli %scan3A_174, %mul3A_440 : i32
        %add3A_442 = arith.constant 15 : i32
        %add3A_443 = arith.addi %mul3A_441, %add3A_442 : i32
        %mul3A_444 = arith.constant 16 : i32
        %mul3A_445 = arith.muli %add3A_443, %mul3A_444 : i32
        %get3A_446 = arith.index_cast %mul3A_445 : i32 to index
        %get3A_447 = tpu.vector_load %arg8[%get3A_446] {strides = array<i32>} : memref<4096xi32, #tpu.memory_space<vmem>>, vector<16xi32>,
        %and3A_448 = arith.andi %get3A_447, %broadcast_in_dim3A_1 : vector<16xi32>
        %gather3A_449 = tpu.vector_load_idx %arg6[%and3A_448] : memref<100224xf32, #tpu.memory_space<vmem>>[vector<16xi32>], vector<16xf32>,
        %shift_right_logical3A_450 = arith.constant 17 : i32
        %shift_right_logical3A_451 = vector.broadcast %shift_right_logical3A_450 : i32 to vector<16xi32>
        %shift_right_logical3A_452 = arith.shrui %get3A_447, %shift_right_logical3A_451 : vector<16xi32>
        %add3A_453 = arith.addi %shift_right_logical3A_452, %broadcast_in_dim3A_3 : vector<16xi32>
        %gather3A_454 = tpu.vector_load_idx %arg6[%add3A_453] : memref<100224xf32, #tpu.memory_space<vmem>>[vector<16xi32>], vector<16xf32>,
        %add3A_455 = arith.addf %gather3A_449, %gather3A_454 : vector<16xf32>
        %swap3A_456 = arith.index_cast %mul3A_445 : i32 to index
        %swap3A_457 = tpu.vector_load %arg10[%swap3A_456] {strides = array<i32>} : memref<4096xf32, #tpu.memory_space<vmem>>, vector<16xf32>,
        tpu.vector_store %arg10[%swap3A_456], %add3A_455 {strides = array<i32>} : memref<4096xf32, #tpu.memory_space<vmem>>, vector<16xf32>,
      }
      %scan3A_118 = arith.constant 16 : i32
      %eq3A_119 = arith.constant 24 : i32
      %eq3A_120 = arith.cmpi eq, %add3A_103, %eq3A_119 : i32
      %convert_element_type3A_121 = arith.extui %eq3A_120 : i1 to i32
      %cond3A_122 = arith.constant 0 : i32
      %cond3A_123 = arith.cmpi ne, %convert_element_type3A_121, %cond3A_122 : i32
      scf.if %cond3A_123 {
        %mul3A_174 = arith.constant 4 : i32
        %mul3A_175 = arith.muli %add3A, %mul3A_174 : i32
        %add3A_176 = arith.constant 1 : i32
        %add3A_177 = arith.addi %mul3A_175, %add3A_176 : i32
        "tpu.region"() ({
          %run_scoped3A = tpu.sem_alloc : memref<!tpu.dma_semaphore, #tpu.memory_space<semaphore_mem>>
          %dma_start3A_178 = arith.constant 0 : i32
          %dma_start3A_179 = tpu.memref_slice %arg6[%dma_start3A_178] : memref<100224xf32, #tpu.memory_space<vmem>> -> memref<99968xf32, #tpu.memory_space<vmem>>
          %dma_start3A_180 = arith.constant 0 : i32
          %dma_start3A_181 = tpu.memref_slice %arg2[%add3A_177, %dma_start3A_180] : memref<128x100000xf32, #tpu.memory_space<hbm>> -> memref<1x99968xf32, #tpu.memory_space<hbm>>
          %dma_start3A_182 = tpu.memref_squeeze %dma_start3A_181 : memref<1x99968xf32, #tpu.memory_space<hbm>> -> memref<99968xf32, #tpu.memory_space<hbm>>
          %dma_start3A_183 = arith.constant 0 : i32
          %dma_start3A_184 = tpu.memref_slice %arg6[%dma_start3A_183] : memref<100224xf32, #tpu.memory_space<vmem>> -> memref<99968xf32, #tpu.memory_space<vmem>>
          %dma_start3A_185 = arith.constant 0 : i32
          %dma_start3A_186 = tpu.memref_slice %arg2[%add3A_177, %dma_start3A_185] : memref<128x100000xf32, #tpu.memory_space<hbm>> -> memref<1x99968xf32, #tpu.memory_space<hbm>>
          %dma_start3A_187 = tpu.memref_squeeze %dma_start3A_186 : memref<1x99968xf32, #tpu.memory_space<hbm>> -> memref<99968xf32, #tpu.memory_space<hbm>>
          tpu.enqueue_dma source(%dma_start3A_187 : memref<99968xf32, #tpu.memory_space<hbm>>) target(%dma_start3A_184 : memref<99968xf32, #tpu.memory_space<vmem>>) target_semaphore(%run_scoped3A : memref<!tpu.dma_semaphore, #tpu.memory_space<semaphore_mem>>)
          %dma_wait3A_188 = arith.constant 0 : i32
          %dma_wait3A_189 = tpu.memref_slice %arg6[%dma_wait3A_188] : memref<100224xf32, #tpu.memory_space<vmem>> -> memref<99968xf32, #tpu.memory_space<vmem>>
          %dma_wait3A_190 = arith.constant 0 : i32
          %dma_wait3A_191 = tpu.memref_slice %arg2[%add3A_177, %dma_wait3A_190] : memref<128x100000xf32, #tpu.memory_space<hbm>> -> memref<1x99968xf32, #tpu.memory_space<hbm>>
          %dma_wait3A_192 = tpu.memref_squeeze %dma_wait3A_191 : memref<1x99968xf32, #tpu.memory_space<hbm>> -> memref<99968xf32, #tpu.memory_space<hbm>>
          %dma_wait3A_193 = arith.constant 0 : i32
          %dma_wait3A_194 = tpu.memref_slice %arg6[%dma_wait3A_193] : memref<100224xf32, #tpu.memory_space<vmem>> -> memref<99968xf32, #tpu.memory_space<vmem>>
          %dma_wait3A_195 = arith.constant 0 : i32
          %dma_wait3A_196 = tpu.memref_slice %arg2[%add3A_177, %dma_wait3A_195] : memref<128x100000xf32, #tpu.memory_space<hbm>> -> memref<1x99968xf32, #tpu.memory_space<hbm>>
          %dma_wait3A_197 = tpu.memref_squeeze %dma_wait3A_196 : memref<1x99968xf32, #tpu.memory_space<hbm>> -> memref<99968xf32, #tpu.memory_space<hbm>>
          tpu.wait_dma2 semaphore(%run_scoped3A : memref<!tpu.dma_semaphore, #tpu.memory_space<semaphore_mem>>) src(%dma_wait3A_197 : memref<99968xf32, #tpu.memory_space<hbm>>) dst(%dma_wait3A_194 : memref<99968xf32, #tpu.memory_space<vmem>>)
          tpu.yield
        }) : () -> ()
        "tpu.region"() ({
          %run_scoped3A = tpu.sem_alloc : memref<!tpu.dma_semaphore, #tpu.memory_space<semaphore_mem>>
          %dma_start3A_178 = arith.constant 99968 : i32
          %dma_start3A_179 = tpu.memref_slice %arg6[%dma_start3A_178] : memref<100224xf32, #tpu.memory_space<vmem>> -> memref<256xf32, #tpu.memory_space<vmem>>
          %dma_start3A_180 = arith.constant 0 : i32
          %dma_start3A_181 = tpu.memref_slice %arg3[%add3A_177, %dma_start3A_180] : memref<128x256xf32, #tpu.memory_space<hbm>> -> memref<1x256xf32, #tpu.memory_space<hbm>>
          %dma_start3A_182 = tpu.memref_squeeze %dma_start3A_181 : memref<1x256xf32, #tpu.memory_space<hbm>> -> memref<256xf32, #tpu.memory_space<hbm>>
          %dma_start3A_183 = arith.constant 99968 : i32
          %dma_start3A_184 = tpu.memref_slice %arg6[%dma_start3A_183] : memref<100224xf32, #tpu.memory_space<vmem>> -> memref<256xf32, #tpu.memory_space<vmem>>
          %dma_start3A_185 = arith.constant 0 : i32
          %dma_start3A_186 = tpu.memref_slice %arg3[%add3A_177, %dma_start3A_185] : memref<128x256xf32, #tpu.memory_space<hbm>> -> memref<1x256xf32, #tpu.memory_space<hbm>>
          %dma_start3A_187 = tpu.memref_squeeze %dma_start3A_186 : memref<1x256xf32, #tpu.memory_space<hbm>> -> memref<256xf32, #tpu.memory_space<hbm>>
          tpu.enqueue_dma source(%dma_start3A_187 : memref<256xf32, #tpu.memory_space<hbm>>) target(%dma_start3A_184 : memref<256xf32, #tpu.memory_space<vmem>>) target_semaphore(%run_scoped3A : memref<!tpu.dma_semaphore, #tpu.memory_space<semaphore_mem>>)
          %dma_wait3A_188 = arith.constant 99968 : i32
          %dma_wait3A_189 = tpu.memref_slice %arg6[%dma_wait3A_188] : memref<100224xf32, #tpu.memory_space<vmem>> -> memref<256xf32, #tpu.memory_space<vmem>>
          %dma_wait3A_190 = arith.constant 0 : i32
          %dma_wait3A_191 = tpu.memref_slice %arg3[%add3A_177, %dma_wait3A_190] : memref<128x256xf32, #tpu.memory_space<hbm>> -> memref<1x256xf32, #tpu.memory_space<hbm>>
          %dma_wait3A_192 = tpu.memref_squeeze %dma_wait3A_191 : memref<1x256xf32, #tpu.memory_space<hbm>> -> memref<256xf32, #tpu.memory_space<hbm>>
          %dma_wait3A_193 = arith.constant 99968 : i32
          %dma_wait3A_194 = tpu.memref_slice %arg6[%dma_wait3A_193] : memref<100224xf32, #tpu.memory_space<vmem>> -> memref<256xf32, #tpu.memory_space<vmem>>
          %dma_wait3A_195 = arith.constant 0 : i32
          %dma_wait3A_196 = tpu.memref_slice %arg3[%add3A_177, %dma_wait3A_195] : memref<128x256xf32, #tpu.memory_space<hbm>> -> memref<1x256xf32, #tpu.memory_space<hbm>>
          %dma_wait3A_197 = tpu.memref_squeeze %dma_wait3A_196 : memref<1x256xf32, #tpu.memory_space<hbm>> -> memref<256xf32, #tpu.memory_space<hbm>>
          tpu.wait_dma2 semaphore(%run_scoped3A : memref<!tpu.dma_semaphore, #tpu.memory_space<semaphore_mem>>) src(%dma_wait3A_197 : memref<256xf32, #tpu.memory_space<hbm>>) dst(%dma_wait3A_194 : memref<256xf32, #tpu.memory_space<vmem>>)
          tpu.yield
        }) : () -> ()
      } else {
      }
      %eq3A_124 = arith.constant 48 : i32
      %eq3A_125 = arith.cmpi eq, %add3A_103, %eq3A_124 : i32
      %convert_element_type3A_126 = arith.extui %eq3A_125 : i1 to i32
      %cond3A_127 = arith.constant 0 : i32
      %cond3A_128 = arith.cmpi ne, %convert_element_type3A_126, %cond3A_127 : i32
      scf.if %cond3A_128 {
        %mul3A_174 = arith.constant 4 : i32
        %mul3A_175 = arith.muli %add3A, %mul3A_174 : i32
        %add3A_176 = arith.constant 2 : i32
        %add3A_177 = arith.addi %mul3A_175, %add3A_176 : i32
        "tpu.region"() ({
          %run_scoped3A = tpu.sem_alloc : memref<!tpu.dma_semaphore, #tpu.memory_space<semaphore_mem>>
          %dma_start3A_178 = arith.constant 0 : i32
          %dma_start3A_179 = tpu.memref_slice %arg6[%dma_start3A_178] : memref<100224xf32, #tpu.memory_space<vmem>> -> memref<99968xf32, #tpu.memory_space<vmem>>
          %dma_start3A_180 = arith.constant 0 : i32
          %dma_start3A_181 = tpu.memref_slice %arg2[%add3A_177, %dma_start3A_180] : memref<128x100000xf32, #tpu.memory_space<hbm>> -> memref<1x99968xf32, #tpu.memory_space<hbm>>
          %dma_start3A_182 = tpu.memref_squeeze %dma_start3A_181 : memref<1x99968xf32, #tpu.memory_space<hbm>> -> memref<99968xf32, #tpu.memory_space<hbm>>
          %dma_start3A_183 = arith.constant 0 : i32
          %dma_start3A_184 = tpu.memref_slice %arg6[%dma_start3A_183] : memref<100224xf32, #tpu.memory_space<vmem>> -> memref<99968xf32, #tpu.memory_space<vmem>>
          %dma_start3A_185 = arith.constant 0 : i32
          %dma_start3A_186 = tpu.memref_slice %arg2[%add3A_177, %dma_start3A_185] : memref<128x100000xf32, #tpu.memory_space<hbm>> -> memref<1x99968xf32, #tpu.memory_space<hbm>>
          %dma_start3A_187 = tpu.memref_squeeze %dma_start3A_186 : memref<1x99968xf32, #tpu.memory_space<hbm>> -> memref<99968xf32, #tpu.memory_space<hbm>>
          tpu.enqueue_dma source(%dma_start3A_187 : memref<99968xf32, #tpu.memory_space<hbm>>) target(%dma_start3A_184 : memref<99968xf32, #tpu.memory_space<vmem>>) target_semaphore(%run_scoped3A : memref<!tpu.dma_semaphore, #tpu.memory_space<semaphore_mem>>)
          %dma_wait3A_188 = arith.constant 0 : i32
          %dma_wait3A_189 = tpu.memref_slice %arg6[%dma_wait3A_188] : memref<100224xf32, #tpu.memory_space<vmem>> -> memref<99968xf32, #tpu.memory_space<vmem>>
          %dma_wait3A_190 = arith.constant 0 : i32
          %dma_wait3A_191 = tpu.memref_slice %arg2[%add3A_177, %dma_wait3A_190] : memref<128x100000xf32, #tpu.memory_space<hbm>> -> memref<1x99968xf32, #tpu.memory_space<hbm>>
          %dma_wait3A_192 = tpu.memref_squeeze %dma_wait3A_191 : memref<1x99968xf32, #tpu.memory_space<hbm>> -> memref<99968xf32, #tpu.memory_space<hbm>>
          %dma_wait3A_193 = arith.constant 0 : i32
          %dma_wait3A_194 = tpu.memref_slice %arg6[%dma_wait3A_193] : memref<100224xf32, #tpu.memory_space<vmem>> -> memref<99968xf32, #tpu.memory_space<vmem>>
          %dma_wait3A_195 = arith.constant 0 : i32
          %dma_wait3A_196 = tpu.memref_slice %arg2[%add3A_177, %dma_wait3A_195] : memref<128x100000xf32, #tpu.memory_space<hbm>> -> memref<1x99968xf32, #tpu.memory_space<hbm>>
          %dma_wait3A_197 = tpu.memref_squeeze %dma_wait3A_196 : memref<1x99968xf32, #tpu.memory_space<hbm>> -> memref<99968xf32, #tpu.memory_space<hbm>>
          tpu.wait_dma2 semaphore(%run_scoped3A : memref<!tpu.dma_semaphore, #tpu.memory_space<semaphore_mem>>) src(%dma_wait3A_197 : memref<99968xf32, #tpu.memory_space<hbm>>) dst(%dma_wait3A_194 : memref<99968xf32, #tpu.memory_space<vmem>>)
          tpu.yield
        }) : () -> ()
        "tpu.region"() ({
          %run_scoped3A = tpu.sem_alloc : memref<!tpu.dma_semaphore, #tpu.memory_space<semaphore_mem>>
          %dma_start3A_178 = arith.constant 99968 : i32
          %dma_start3A_179 = tpu.memref_slice %arg6[%dma_start3A_178] : memref<100224xf32, #tpu.memory_space<vmem>> -> memref<256xf32, #tpu.memory_space<vmem>>
          %dma_start3A_180 = arith.constant 0 : i32
          %dma_start3A_181 = tpu.memref_slice %arg3[%add3A_177, %dma_start3A_180] : memref<128x256xf32, #tpu.memory_space<hbm>> -> memref<1x256xf32, #tpu.memory_space<hbm>>
          %dma_start3A_182 = tpu.memref_squeeze %dma_start3A_181 : memref<1x256xf32, #tpu.memory_space<hbm>> -> memref<256xf32, #tpu.memory_space<hbm>>
          %dma_start3A_183 = arith.constant 99968 : i32
          %dma_start3A_184 = tpu.memref_slice %arg6[%dma_start3A_183] : memref<100224xf32, #tpu.memory_space<vmem>> -> memref<256xf32, #tpu.memory_space<vmem>>
          %dma_start3A_185 = arith.constant 0 : i32
          %dma_start3A_186 = tpu.memref_slice %arg3[%add3A_177, %dma_start3A_185] : memref<128x256xf32, #tpu.memory_space<hbm>> -> memref<1x256xf32, #tpu.memory_space<hbm>>
          %dma_start3A_187 = tpu.memref_squeeze %dma_start3A_186 : memref<1x256xf32, #tpu.memory_space<hbm>> -> memref<256xf32, #tpu.memory_space<hbm>>
          tpu.enqueue_dma source(%dma_start3A_187 : memref<256xf32, #tpu.memory_space<hbm>>) target(%dma_start3A_184 : memref<256xf32, #tpu.memory_space<vmem>>) target_semaphore(%run_scoped3A : memref<!tpu.dma_semaphore, #tpu.memory_space<semaphore_mem>>)
          %dma_wait3A_188 = arith.constant 99968 : i32
          %dma_wait3A_189 = tpu.memref_slice %arg6[%dma_wait3A_188] : memref<100224xf32, #tpu.memory_space<vmem>> -> memref<256xf32, #tpu.memory_space<vmem>>
          %dma_wait3A_190 = arith.constant 0 : i32
          %dma_wait3A_191 = tpu.memref_slice %arg3[%add3A_177, %dma_wait3A_190] : memref<128x256xf32, #tpu.memory_space<hbm>> -> memref<1x256xf32, #tpu.memory_space<hbm>>
          %dma_wait3A_192 = tpu.memref_squeeze %dma_wait3A_191 : memref<1x256xf32, #tpu.memory_space<hbm>> -> memref<256xf32, #tpu.memory_space<hbm>>
          %dma_wait3A_193 = arith.constant 99968 : i32
          %dma_wait3A_194 = tpu.memref_slice %arg6[%dma_wait3A_193] : memref<100224xf32, #tpu.memory_space<vmem>> -> memref<256xf32, #tpu.memory_space<vmem>>
          %dma_wait3A_195 = arith.constant 0 : i32
          %dma_wait3A_196 = tpu.memref_slice %arg3[%add3A_177, %dma_wait3A_195] : memref<128x256xf32, #tpu.memory_space<hbm>> -> memref<1x256xf32, #tpu.memory_space<hbm>>
          %dma_wait3A_197 = tpu.memref_squeeze %dma_wait3A_196 : memref<1x256xf32, #tpu.memory_space<hbm>> -> memref<256xf32, #tpu.memory_space<hbm>>
          tpu.wait_dma2 semaphore(%run_scoped3A : memref<!tpu.dma_semaphore, #tpu.memory_space<semaphore_mem>>) src(%dma_wait3A_197 : memref<256xf32, #tpu.memory_space<hbm>>) dst(%dma_wait3A_194 : memref<256xf32, #tpu.memory_space<vmem>>)
          tpu.yield
        }) : () -> ()
      } else {
      }
      %eq3A_129 = arith.constant 73 : i32
      %eq3A_130 = arith.cmpi eq, %add3A_103, %eq3A_129 : i32
      %convert_element_type3A_131 = arith.extui %eq3A_130 : i1 to i32
      %cond3A_132 = arith.constant 0 : i32
      %cond3A_133 = arith.cmpi ne, %convert_element_type3A_131, %cond3A_132 : i32
      scf.if %cond3A_133 {
        %mul3A_174 = arith.constant 4 : i32
        %mul3A_175 = arith.muli %add3A, %mul3A_174 : i32
        %add3A_176 = arith.constant 3 : i32
        %add3A_177 = arith.addi %mul3A_175, %add3A_176 : i32
        "tpu.region"() ({
          %run_scoped3A = tpu.sem_alloc : memref<!tpu.dma_semaphore, #tpu.memory_space<semaphore_mem>>
          %dma_start3A_178 = arith.constant 0 : i32
          %dma_start3A_179 = tpu.memref_slice %arg6[%dma_start3A_178] : memref<100224xf32, #tpu.memory_space<vmem>> -> memref<99968xf32, #tpu.memory_space<vmem>>
          %dma_start3A_180 = arith.constant 0 : i32
          %dma_start3A_181 = tpu.memref_slice %arg2[%add3A_177, %dma_start3A_180] : memref<128x100000xf32, #tpu.memory_space<hbm>> -> memref<1x99968xf32, #tpu.memory_space<hbm>>
          %dma_start3A_182 = tpu.memref_squeeze %dma_start3A_181 : memref<1x99968xf32, #tpu.memory_space<hbm>> -> memref<99968xf32, #tpu.memory_space<hbm>>
          %dma_start3A_183 = arith.constant 0 : i32
          %dma_start3A_184 = tpu.memref_slice %arg6[%dma_start3A_183] : memref<100224xf32, #tpu.memory_space<vmem>> -> memref<99968xf32, #tpu.memory_space<vmem>>
          %dma_start3A_185 = arith.constant 0 : i32
          %dma_start3A_186 = tpu.memref_slice %arg2[%add3A_177, %dma_start3A_185] : memref<128x100000xf32, #tpu.memory_space<hbm>> -> memref<1x99968xf32, #tpu.memory_space<hbm>>
          %dma_start3A_187 = tpu.memref_squeeze %dma_start3A_186 : memref<1x99968xf32, #tpu.memory_space<hbm>> -> memref<99968xf32, #tpu.memory_space<hbm>>
          tpu.enqueue_dma source(%dma_start3A_187 : memref<99968xf32, #tpu.memory_space<hbm>>) target(%dma_start3A_184 : memref<99968xf32, #tpu.memory_space<vmem>>) target_semaphore(%run_scoped3A : memref<!tpu.dma_semaphore, #tpu.memory_space<semaphore_mem>>)
          %dma_wait3A_188 = arith.constant 0 : i32
          %dma_wait3A_189 = tpu.memref_slice %arg6[%dma_wait3A_188] : memref<100224xf32, #tpu.memory_space<vmem>> -> memref<99968xf32, #tpu.memory_space<vmem>>
          %dma_wait3A_190 = arith.constant 0 : i32
          %dma_wait3A_191 = tpu.memref_slice %arg2[%add3A_177, %dma_wait3A_190] : memref<128x100000xf32, #tpu.memory_space<hbm>> -> memref<1x99968xf32, #tpu.memory_space<hbm>>
          %dma_wait3A_192 = tpu.memref_squeeze %dma_wait3A_191 : memref<1x99968xf32, #tpu.memory_space<hbm>> -> memref<99968xf32, #tpu.memory_space<hbm>>
          %dma_wait3A_193 = arith.constant 0 : i32
          %dma_wait3A_194 = tpu.memref_slice %arg6[%dma_wait3A_193] : memref<100224xf32, #tpu.memory_space<vmem>> -> memref<99968xf32, #tpu.memory_space<vmem>>
          %dma_wait3A_195 = arith.constant 0 : i32
          %dma_wait3A_196 = tpu.memref_slice %arg2[%add3A_177, %dma_wait3A_195] : memref<128x100000xf32, #tpu.memory_space<hbm>> -> memref<1x99968xf32, #tpu.memory_space<hbm>>
          %dma_wait3A_197 = tpu.memref_squeeze %dma_wait3A_196 : memref<1x99968xf32, #tpu.memory_space<hbm>> -> memref<99968xf32, #tpu.memory_space<hbm>>
          tpu.wait_dma2 semaphore(%run_scoped3A : memref<!tpu.dma_semaphore, #tpu.memory_space<semaphore_mem>>) src(%dma_wait3A_197 : memref<99968xf32, #tpu.memory_space<hbm>>) dst(%dma_wait3A_194 : memref<99968xf32, #tpu.memory_space<vmem>>)
          tpu.yield
        }) : () -> ()
        "tpu.region"() ({
          %run_scoped3A = tpu.sem_alloc : memref<!tpu.dma_semaphore, #tpu.memory_space<semaphore_mem>>
          %dma_start3A_178 = arith.constant 99968 : i32
          %dma_start3A_179 = tpu.memref_slice %arg6[%dma_start3A_178] : memref<100224xf32, #tpu.memory_space<vmem>> -> memref<256xf32, #tpu.memory_space<vmem>>
          %dma_start3A_180 = arith.constant 0 : i32
          %dma_start3A_181 = tpu.memref_slice %arg3[%add3A_177, %dma_start3A_180] : memref<128x256xf32, #tpu.memory_space<hbm>> -> memref<1x256xf32, #tpu.memory_space<hbm>>
          %dma_start3A_182 = tpu.memref_squeeze %dma_start3A_181 : memref<1x256xf32, #tpu.memory_space<hbm>> -> memref<256xf32, #tpu.memory_space<hbm>>
          %dma_start3A_183 = arith.constant 99968 : i32
          %dma_start3A_184 = tpu.memref_slice %arg6[%dma_start3A_183] : memref<100224xf32, #tpu.memory_space<vmem>> -> memref<256xf32, #tpu.memory_space<vmem>>
          %dma_start3A_185 = arith.constant 0 : i32
          %dma_start3A_186 = tpu.memref_slice %arg3[%add3A_177, %dma_start3A_185] : memref<128x256xf32, #tpu.memory_space<hbm>> -> memref<1x256xf32, #tpu.memory_space<hbm>>
          %dma_start3A_187 = tpu.memref_squeeze %dma_start3A_186 : memref<1x256xf32, #tpu.memory_space<hbm>> -> memref<256xf32, #tpu.memory_space<hbm>>
          tpu.enqueue_dma source(%dma_start3A_187 : memref<256xf32, #tpu.memory_space<hbm>>) target(%dma_start3A_184 : memref<256xf32, #tpu.memory_space<vmem>>) target_semaphore(%run_scoped3A : memref<!tpu.dma_semaphore, #tpu.memory_space<semaphore_mem>>)
          %dma_wait3A_188 = arith.constant 99968 : i32
          %dma_wait3A_189 = tpu.memref_slice %arg6[%dma_wait3A_188] : memref<100224xf32, #tpu.memory_space<vmem>> -> memref<256xf32, #tpu.memory_space<vmem>>
          %dma_wait3A_190 = arith.constant 0 : i32
          %dma_wait3A_191 = tpu.memref_slice %arg3[%add3A_177, %dma_wait3A_190] : memref<128x256xf32, #tpu.memory_space<hbm>> -> memref<1x256xf32, #tpu.memory_space<hbm>>
          %dma_wait3A_192 = tpu.memref_squeeze %dma_wait3A_191 : memref<1x256xf32, #tpu.memory_space<hbm>> -> memref<256xf32, #tpu.memory_space<hbm>>
          %dma_wait3A_193 = arith.constant 99968 : i32
          %dma_wait3A_194 = tpu.memref_slice %arg6[%dma_wait3A_193] : memref<100224xf32, #tpu.memory_space<vmem>> -> memref<256xf32, #tpu.memory_space<vmem>>
          %dma_wait3A_195 = arith.constant 0 : i32
          %dma_wait3A_196 = tpu.memref_slice %arg3[%add3A_177, %dma_wait3A_195] : memref<128x256xf32, #tpu.memory_space<hbm>> -> memref<1x256xf32, #tpu.memory_space<hbm>>
          %dma_wait3A_197 = tpu.memref_squeeze %dma_wait3A_196 : memref<1x256xf32, #tpu.memory_space<hbm>> -> memref<256xf32, #tpu.memory_space<hbm>>
          tpu.wait_dma2 semaphore(%run_scoped3A : memref<!tpu.dma_semaphore, #tpu.memory_space<semaphore_mem>>) src(%dma_wait3A_197 : memref<256xf32, #tpu.memory_space<hbm>>) dst(%dma_wait3A_194 : memref<256xf32, #tpu.memory_space<vmem>>)
          tpu.yield
        }) : () -> ()
      } else {
      }
      %eq3A_134 = arith.constant 24 : i32
      %eq3A_135 = arith.cmpi eq, %add3A_103, %eq3A_134 : i32
      %jit3A_136 = arith.constant 106 : i32
      %jit3A_137 = arith.constant 256 : i32
      %select_n3A_138 = arith.select %eq3A_135, %jit3A_136, %jit3A_137 : i32
      %eq3A_139 = arith.constant 48 : i32
      %eq3A_140 = arith.cmpi eq, %add3A_103, %eq3A_139 : i32
      %jit3A_141 = arith.constant 212 : i32
      %select_n3A_142 = arith.select %eq3A_140, %jit3A_141, %select_n3A_138 : i32
      %eq3A_143 = arith.constant 73 : i32
      %eq3A_144 = arith.cmpi eq, %add3A_103, %eq3A_143 : i32
      %jit3A_145 = arith.constant 62 : i32
      %select_n3A_146 = arith.select %eq3A_144, %jit3A_145, %select_n3A_142 : i32
      %while3A_147 = arith.constant 0 : i32
      %while3A_148 = arith.constant 256 : i32
      %while3A_149 = arith.subi %while3A_148, %select_n3A_146 : i32
      %while3A_150 = arith.addi %select_n3A_146, %while3A_149 : i32
      %while3A_151 = arith.constant 1 : i32
      %while3A_152 = arith.divsi %while3A_149, %while3A_151 : i32
      %while3A_153 = arith.muli %while3A_152, %while3A_151 : i32
      %while3A_154 = arith.addi %select_n3A_146, %while3A_153 : i32
      %while3A_155 = arith.constant 1 : i32
      scf.for %while3A_174 = %select_n3A_146 to %while3A_154 step %while3A_155  : i32 {
        %mul3A_175 = arith.constant 16 : i32
        %mul3A_176 = arith.muli %while3A_174, %mul3A_175 : i32
        %get3A = arith.index_cast %mul3A_176 : i32 to index
        %get3A_177 = tpu.vector_load %arg8[%get3A] {strides = array<i32>} : memref<4096xi32, #tpu.memory_space<vmem>>, vector<16xi32>,
        %and3A = arith.andi %get3A_177, %broadcast_in_dim3A_1 : vector<16xi32>
        %gather3A = tpu.vector_load_idx %arg6[%and3A] : memref<100224xf32, #tpu.memory_space<vmem>>[vector<16xi32>], vector<16xf32>,
        %shift_right_logical3A = arith.constant 17 : i32
        %shift_right_logical3A_178 = vector.broadcast %shift_right_logical3A : i32 to vector<16xi32>
        %shift_right_logical3A_179 = arith.shrui %get3A_177, %shift_right_logical3A_178 : vector<16xi32>
        %add3A_180 = arith.addi %shift_right_logical3A_179, %broadcast_in_dim3A_3 : vector<16xi32>
        %gather3A_181 = tpu.vector_load_idx %arg6[%add3A_180] : memref<100224xf32, #tpu.memory_space<vmem>>[vector<16xi32>], vector<16xf32>,
        %add3A_182 = arith.addf %gather3A, %gather3A_181 : vector<16xf32>
        %swap3A = arith.index_cast %mul3A_176 : i32 to index
        %swap3A_183 = tpu.vector_load %arg10[%swap3A] {strides = array<i32>} : memref<4096xf32, #tpu.memory_space<vmem>>, vector<16xf32>,
        tpu.vector_store %arg10[%swap3A], %add3A_182 {strides = array<i32>} : memref<4096xf32, #tpu.memory_space<vmem>>, vector<16xf32>,
      }
      %while3A_156 = arith.constant 1 : i32
      scf.for %while3A_174 = %while3A_154 to %while3A_150 step %while3A_156  : i32 {
        %mul3A_175 = arith.constant 16 : i32
        %mul3A_176 = arith.muli %while3A_174, %mul3A_175 : i32
        %get3A = arith.index_cast %mul3A_176 : i32 to index
        %get3A_177 = tpu.vector_load %arg8[%get3A] {strides = array<i32>} : memref<4096xi32, #tpu.memory_space<vmem>>, vector<16xi32>,
        %and3A = arith.andi %get3A_177, %broadcast_in_dim3A_1 : vector<16xi32>
        %gather3A = tpu.vector_load_idx %arg6[%and3A] : memref<100224xf32, #tpu.memory_space<vmem>>[vector<16xi32>], vector<16xf32>,
        %shift_right_logical3A = arith.constant 17 : i32
        %shift_right_logical3A_178 = vector.broadcast %shift_right_logical3A : i32 to vector<16xi32>
        %shift_right_logical3A_179 = arith.shrui %get3A_177, %shift_right_logical3A_178 : vector<16xi32>
        %add3A_180 = arith.addi %shift_right_logical3A_179, %broadcast_in_dim3A_3 : vector<16xi32>
        %gather3A_181 = tpu.vector_load_idx %arg6[%add3A_180] : memref<100224xf32, #tpu.memory_space<vmem>>[vector<16xi32>], vector<16xf32>,
        %add3A_182 = arith.addf %gather3A, %gather3A_181 : vector<16xf32>
        %swap3A = arith.index_cast %mul3A_176 : i32 to index
        %swap3A_183 = tpu.vector_load %arg10[%swap3A] {strides = array<i32>} : memref<4096xf32, #tpu.memory_space<vmem>>, vector<16xf32>,
        tpu.vector_store %arg10[%swap3A], %add3A_182 {strides = array<i32>} : memref<4096xf32, #tpu.memory_space<vmem>>, vector<16xf32>,
      }
      %lt3A_157 = arith.constant 97 : i32
      %lt3A_158 = arith.cmpi slt, %add3A_103, %lt3A_157 : i32
      %convert_element_type3A_159 = arith.extui %lt3A_158 : i1 to i32
      %cond3A_160 = arith.constant 0 : i32
      %cond3A_161 = arith.cmpi ne, %convert_element_type3A_159, %cond3A_160 : i32
      scf.if %cond3A_161 {
        %mul3A_174 = arith.constant 4096 : i32
        %mul3A_175 = arith.muli %add3A_103, %mul3A_174 : i32
        %add3A_176 = arith.addi %mul3A_5, %mul3A_175 : i32
        %dma_start3A_177 = tpu.memref_slice %arg5[%add3A_176] : memref<12800000xf32, #tpu.memory_space<hbm>> -> memref<4096xf32, #tpu.memory_space<hbm>>
        %dma_start3A_178 = tpu.memref_slice %arg5[%add3A_176] : memref<12800000xf32, #tpu.memory_space<hbm>> -> memref<4096xf32, #tpu.memory_space<hbm>>
        tpu.enqueue_dma source(%arg10 : memref<4096xf32, #tpu.memory_space<vmem>>) target(%dma_start3A_178 : memref<4096xf32, #tpu.memory_space<hbm>>) target_semaphore(%arg14 : memref<!tpu.dma_semaphore, #tpu.memory_space<semaphore_mem>>)
      } else {
      }
      %eq3A_162 = arith.constant 97 : i32
      %eq3A_163 = arith.cmpi eq, %add3A_103, %eq3A_162 : i32
      %convert_element_type3A_164 = arith.extui %eq3A_163 : i1 to i32
      %cond3A_165 = arith.constant 0 : i32
      %cond3A_166 = arith.cmpi ne, %convert_element_type3A_164, %cond3A_165 : i32
      scf.if %cond3A_166 {
        %mul3A_174 = arith.constant 4096 : i32
        %mul3A_175 = arith.muli %add3A_103, %mul3A_174 : i32
        %add3A_176 = arith.addi %mul3A_5, %mul3A_175 : i32
        %dma_start3A_177 = arith.constant 0 : i32
        %dma_start3A_178 = tpu.memref_slice %arg10[%dma_start3A_177] : memref<4096xf32, #tpu.memory_space<vmem>> -> memref<2688xf32, #tpu.memory_space<vmem>>
        %dma_start3A_179 = tpu.memref_slice %arg5[%add3A_176] : memref<12800000xf32, #tpu.memory_space<hbm>> -> memref<2688xf32, #tpu.memory_space<hbm>>
        %dma_start3A_180 = tpu.memref_slice %arg5[%add3A_176] : memref<12800000xf32, #tpu.memory_space<hbm>> -> memref<2688xf32, #tpu.memory_space<hbm>>
        %dma_start3A_181 = arith.constant 0 : i32
        %dma_start3A_182 = tpu.memref_slice %arg10[%dma_start3A_181] : memref<4096xf32, #tpu.memory_space<vmem>> -> memref<2688xf32, #tpu.memory_space<vmem>>
        tpu.enqueue_dma source(%dma_start3A_182 : memref<2688xf32, #tpu.memory_space<vmem>>) target(%dma_start3A_180 : memref<2688xf32, #tpu.memory_space<hbm>>) target_semaphore(%arg14 : memref<!tpu.dma_semaphore, #tpu.memory_space<semaphore_mem>>)
      } else {
      }
      %add3A_167 = arith.constant 2 : i32
      %add3A_168 = arith.addi %add3A_103, %add3A_167 : i32
      %lt3A_169 = arith.constant 98 : i32
      %lt3A_170 = arith.cmpi slt, %add3A_168, %lt3A_169 : i32
      %convert_element_type3A_171 = arith.extui %lt3A_170 : i1 to i32
      %cond3A_172 = arith.constant 0 : i32
      %cond3A_173 = arith.cmpi ne, %convert_element_type3A_171, %cond3A_172 : i32
      scf.if %cond3A_173 {
        %add3A_174 = arith.constant 2 : i32
        %add3A_175 = arith.addi %add3A_103, %add3A_174 : i32
        %mul3A_176 = arith.constant 4096 : i32
        %mul3A_177 = arith.muli %add3A_175, %mul3A_176 : i32
        %dma_start3A_178 = tpu.memref_slice %arg4[%mul3A_177] : memref<401408xi32, #tpu.memory_space<hbm>> -> memref<4096xi32, #tpu.memory_space<hbm>>
        %dma_start3A_179 = tpu.memref_slice %arg4[%mul3A_177] : memref<401408xi32, #tpu.memory_space<hbm>> -> memref<4096xi32, #tpu.memory_space<hbm>>
        tpu.enqueue_dma source(%dma_start3A_179 : memref<4096xi32, #tpu.memory_space<hbm>>) target(%arg8 : memref<4096xi32, #tpu.memory_space<vmem>>) target_semaphore(%arg12 : memref<!tpu.dma_semaphore, #tpu.memory_space<semaphore_mem>>)
      } else {
      }
    }
    %scan3A_21 = arith.constant 49 : i32
    %add3A_22 = arith.constant 393216 : i32
    %add3A_23 = arith.addi %mul3A_5, %add3A_22 : i32
    %dma_wait3A = tpu.memref_slice %arg5[%add3A_23] : memref<12800000xf32, #tpu.memory_space<hbm>> -> memref<4096xf32, #tpu.memory_space<hbm>>
    %dma_wait3A_24 = tpu.memref_slice %arg5[%add3A_23] : memref<12800000xf32, #tpu.memory_space<hbm>> -> memref<4096xf32, #tpu.memory_space<hbm>>
    tpu.wait_dma2 semaphore(%arg13 : memref<!tpu.dma_semaphore, #tpu.memory_space<semaphore_mem>>) src(%arg9 : memref<4096xf32, #tpu.memory_space<vmem>>) dst(%dma_wait3A_24 : memref<4096xf32, #tpu.memory_space<hbm>>)
    %add3A_25 = arith.constant 397312 : i32
    %add3A_26 = arith.addi %mul3A_5, %add3A_25 : i32
    %dma_wait3A_27 = arith.constant 0 : i32
    %dma_wait3A_28 = tpu.memref_slice %arg10[%dma_wait3A_27] : memref<4096xf32, #tpu.memory_space<vmem>> -> memref<2688xf32, #tpu.memory_space<vmem>>
    %dma_wait3A_29 = tpu.memref_slice %arg5[%add3A_26] : memref<12800000xf32, #tpu.memory_space<hbm>> -> memref<2688xf32, #tpu.memory_space<hbm>>
    %dma_wait3A_30 = tpu.memref_slice %arg5[%add3A_26] : memref<12800000xf32, #tpu.memory_space<hbm>> -> memref<2688xf32, #tpu.memory_space<hbm>>
    %dma_wait3A_31 = arith.constant 0 : i32
    %dma_wait3A_32 = tpu.memref_slice %arg10[%dma_wait3A_31] : memref<4096xf32, #tpu.memory_space<vmem>> -> memref<2688xf32, #tpu.memory_space<vmem>>
    tpu.wait_dma2 semaphore(%arg14 : memref<!tpu.dma_semaphore, #tpu.memory_space<semaphore_mem>>) src(%dma_wait3A_32 : memref<2688xf32, #tpu.memory_space<vmem>>) dst(%dma_wait3A_30 : memref<2688xf32, #tpu.memory_space<hbm>>)
    return
  }
}

module attributes {stable_mosaic.version = 14 : i64} {
  func.func @_p2_body(%arg0: i32, %arg1: memref<20000x128xf32, #tpu.memory_space<vmem>>, %arg2: memref<2000x128xf32, #tpu.memory_space<vmem>>) attributes {dimension_semantics = [#tpu.dimension_semantics<arbitrary>], iteration_bounds = array<i64: 5>, scalar_prefetch = 0 : i64, scratch_operands = 0 : i64, tpu.core_type = #tpu.core_type<tc>, window_params = [{transform_indices = @transform_0, window_bounds = array<i64: 20000, 128>}, {transform_indices = @transform_1, window_bounds = array<i64: 2000, 128>}]} {
    %get3A = arith.constant 0 : index
    %get3A_0 = arith.constant 0 : index
    %get3A_1 = vector.load %arg1[%get3A, %get3A_0] : memref<20000x128xf32, #tpu.memory_space<vmem>>, vector<20000x128xf32>
    %reshape3A = vector.shape_cast %get3A_1 : vector<20000x128xf32> to vector<2000x10x128xf32>
    %reduce_sum3A = arith.constant dense<0.000000e+00> : vector<2000x128xf32>
    %reduce_sum3A_2 = vector.multi_reduction <add>, %reshape3A, %reduce_sum3A [1] : vector<2000x10x128xf32> to vector<2000x128xf32>
    %mul3A = arith.constant 1.000000e-01 : f32
    %mul3A_3 = vector.broadcast %mul3A : f32 to vector<2000x128xf32>
    %mul3A_4 = arith.mulf %reduce_sum3A_2, %mul3A_3 : vector<2000x128xf32>
    %max3A = arith.constant 0.000000e+00 : f32
    %max3A_5 = vector.broadcast %max3A : f32 to vector<2000x128xf32>
    %max3A_6 = arith.maximumf %mul3A_4, %max3A_5 : vector<2000x128xf32>
    %swap3A = arith.constant 0 : index
    %swap3A_7 = arith.constant 0 : index
    %swap3A_8 = vector.load %arg2[%swap3A, %swap3A_7] : memref<2000x128xf32, #tpu.memory_space<vmem>>, vector<2000x128xf32>
    tpu.vector_store %arg2[%swap3A, %swap3A_7], %max3A_6 {strides = array<i32>} : memref<2000x128xf32, #tpu.memory_space<vmem>>, vector<2000x128xf32>,
    return
  }
  func.func @transform_0(%arg0: i32) -> (i32, i32) {
    %c0_i32 = arith.constant 0 : i32
    %c0_i32_0 = arith.constant 0 : i32
    return %arg0, %c0_i32 : i32, i32
  }
  func.func @transform_1(%arg0: i32) -> (i32, i32) {
    %c0_i32 = arith.constant 0 : i32
    %c0_i32_0 = arith.constant 0 : i32
    return %arg0, %c0_i32 : i32, i32
  }
}

</mosaic_0001>

<sc_bundles>
// kernel: kernel.4.cloned.1.call-start
scs
__scs_entry_jumppad:
0x0: {  	(pc) =	sbr.rel $0x88, $3  }
0x1: {  	(tag) =	ssettag $0x0;
	lr =	simm.s32 $0x1  }
0x2: {  	[smem:$0x3F9D] =	sst lr;
	_ =	strace $0xD0000000  }
0x3: {  	_ = 	snop  }
0x4: {  	_ = 	snop  }
0x5: {  	_ = 	snop  }
0x6: {  	_ = 	snop  }
0x7: {  	_ = 	snop  }
__scs_overlays_trampoline_lowered:
0x8: {  	[smem:$0x3FAC] =	sst s0  }
0x9: {  	[smem:$0x3FAD] =	sst s1  }
0xa: {  	[smem:$0x3FAE] =	sst s2  }
0xb: {  	[smem:$0x3FAF] =	sst s3  }
0xc: {  	[smem:$0x3FB0] =	sst s4  }
0xd: {  	[smem:$0x3FB1] =	sst s5  }
0xe: {  	[smem:$0x3FB2] =	sst s6  }
0xf: {  	[smem:$0x3FB3] =	sst s7  }
0x10: {  	[smem:$0x3FB4] =	sst s8  }
0x11: {  	[smem:$0x3FB5] =	sst s9;
	s0 =	simm.s32 @!p0 $0x0  }
0x12: {  	s1 =	sld [smem:$0x3F9B];
	s0 =	simm.s32 @p0 $0x1  }
0x13: {  	[smem:$0x3FB6] =	sst s0;
	s0 =	simm.s32 @!p1 $0x0  }
0x14: {  	s2 =	sld [smem:$0x3F9A];
	s0 =	simm.s32 @p1 $0x1  }
0x15: {  	[smem:$0x3FB7] =	sst s0;
	s0 =	simm.s32 @!p2 $0x0  }
0x16: {  	s3 =	sld [smem:$0x3FDB];
	s0 =	simm.s32 @p2 $0x1  }
0x17: {  	s4 =	simm.s32 $0x1BF5;
	[smem:$0x3FB9] =	sst s0  }
0x18: {  	s0 =	sld [smem:$0x3F9C];
	_ =	swait.ge [sflag:s4], $0x0  }
0x19: {  	s7 =	sld [smem:$0x3F9D]  }
0x1a: {  	s8 =	sadd.s32 $0xFFFFE003, lr  }
0x1b: {  	s9 =	sadd.s32 $0xFFFFFEF7, lr;
	s5 =	simm.s32 $0xFFFFFFFF;
	p2 =	slt.u32 s8, $0xFFFFF086  }
0x1c: {  	p1 =	slt.u32 s9, $0xF7A;
	s5 =	simm.s32 @!p2 $0x0  }
0x1d: {  	s5 =	simm.s32 @p1 $0x1;
	p0 =	seq.s32 s7, s2  }
0x1e: {  	s7 =	smul.u32 @!p0 $0xF7A, s2;
	p2 =	seq.s32 @!p0 s5, $0x0  }
0x1f: {  	s9 =	smul.u32 $0xF7A, s1;
	s8 =	simm.s32 @!p0 $0x1BF5;
	p2 =	por !p2, p0  }
0x20: {  	[sflag:s8] =	ssyncset.s32 @!p0 $0xFFFFF086;
	s6 =	sadd.s32 @!p0 s3, s7;
	s7 =	simm.s32 @!p0 $0x108  }
0x21: {  	s3 =	sadd.s32 s3, s9;
	s6 =	sadd.s32 @!p0 $0x88, s6;
	s7 =	simm.s32 @p2 $0x1082  }
0x22: {  	[simem:s7], [sflag:s8] =	dma.local @!p0 [hbm:s6], $0xF7A  }
0x23: {  	s9 =	sor.u32 $0xD0000000, s2;
	s6 =	simm.s32 $0x108;
	_ =	swait.ge @!p0 [sflag:s8], $0x0  }
0x24: {  	s3 =	sadd.s32 $0x88, s3;
	s6 =	simm.s32 @!p1 $0x1082;
	[sflag:s4] =	ssyncset.s32 $0xFFFFF086  }
0x25: {  	[simem:s6], [sflag:s4] =	dma.local [hbm:s3], $0xF7A  }
0x26: {  	[smem:$0x3F9D] =	sst s1;
	(tag) =	ssettag s2;
	_ =	strace s9  }
0x27: {  	s1 =	sld [smem:$0x3FAD]  }
0x28: {  	s2 =	sld [smem:$0x3FAE]  }
0x29: {  	s4 =	sld [smem:$0x3FB0]  }
0x2a: {  	p0 =	seq.s32 s5, $0x0;
	s5 =	sld [smem:$0x3FB1]  }
0x2b: {  	s6 =	sld [smem:$0x3FB2]  }
0x2c: {  	s7 =	sld [smem:$0x3FB3]  }
0x2d: {  	s3 =	simm.s32 $0x108;
	s8 =	sld [smem:$0x3FB4]  }
0x2e: {  	s3 =	simm.s32 @!p0 $0x1082;
	s9 =	sld [smem:$0x3FB5]  }
0x2f: {  	lr =	sadd.s32 s0, s3;
	s0 =	sld [smem:$0x3FAC]  }
0x30: {  	s3 =	sld [smem:$0x3FAF]  }
0x31: {  	[smem:$0x3FB8] =	sst s10  }
0x32: {  	s10 =	sld [smem:$0x3FB6];
	_ =	sdelay $0x3  }
0x33: {  	p0 =	seq.s32 s10, $0x1;
	s10 =	sld [smem:$0x3FB8];
	_ =	sdelay $0x3  }
0x34: {  	[smem:$0x3FB8] =	sst s10  }
0x35: {  	s10 =	sld [smem:$0x3FB7];
	_ =	sdelay $0x3  }
0x36: {  	p1 =	seq.s32 s10, $0x1;
	s10 =	sld [smem:$0x3FB8];
	_ =	sdelay $0x3  }
0x37: {  	[smem:$0x3FB8] =	sst s10  }
0x38: {  	s10 =	sld [smem:$0x3FB9]  }
0x39: {  	_ = 	snop;
	(pc) =	sbr.ind lr, $3  }
0x3a: {  	_ = 	snop  }
0x3b: {  	_ = 	snop  }
0x3c: {  	p2 =	seq.s32 s10, $0x1;
	s10 =	sld [smem:$0x3FB8]  }
0x3d: {  	_ =	shalt  }
0x3e: {  	_ =	shalt  }
0x3f: {  	_ =	shalt  }
0x40: {  	_ =	shalt  }
0x41: {  	_ =	shalt  }
0x42: {  	_ =	shalt  }
0x43: {  	_ =	shalt  }
0x44: {  	_ =	shalt  }
0x45: {  	_ =	shalt  }
0x46: {  	_ =	shalt  }
0x47: {  	_ =	shalt  }
0x48: {  	_ =	shalt  }
0x49: {  	_ =	shalt  }
0x4a: {  	_ =	shalt  }
0x4b: {  	_ =	shalt  }
0x4c: {  	_ =	shalt  }
0x4d: {  	_ =	shalt  }
0x4e: {  	_ =	shalt  }
0x4f: {  	_ =	shalt  }
0x50: {  	_ =	shalt  }
0x51: {  	_ =	shalt  }
0x52: {  	_ =	shalt  }
0x53: {  	_ =	shalt  }
0x54: {  	_ =	shalt  }
0x55: {  	_ =	shalt  }
0x56: {  	_ =	shalt  }
0x57: {  	_ =	shalt  }
0x58: {  	_ =	shalt  }
0x59: {  	_ =	shalt  }
0x5a: {  	_ =	shalt  }
0x5b: {  	_ =	shalt  }
0x5c: {  	_ =	shalt  }
0x5d: {  	_ =	shalt  }
0x5e: {  	_ =	shalt  }
0x5f: {  	_ =	shalt  }
0x60: {  	_ =	shalt  }
0x61: {  	_ =	shalt  }
0x62: {  	_ =	shalt  }
0x63: {  	_ =	shalt  }
0x64: {  	_ =	shalt  }
0x65: {  	_ =	shalt  }
0x66: {  	_ =	shalt  }
0x67: {  	_ =	shalt  }
0x68: {  	_ =	shalt  }
0x69: {  	_ =	shalt  }
0x6a: {  	_ =	shalt  }
0x6b: {  	_ =	shalt  }
0x6c: {  	_ =	shalt  }
0x6d: {  	_ =	shalt  }
0x6e: {  	_ =	shalt  }
0x6f: {  	_ =	shalt  }
0x70: {  	_ =	shalt  }
0x71: {  	_ =	shalt  }
0x72: {  	_ =	shalt  }
0x73: {  	_ =	shalt  }
0x74: {  	_ =	shalt  }
0x75: {  	_ =	shalt  }
0x76: {  	_ =	shalt  }
0x77: {  	_ =	shalt  }
0x78: {  	_ =	shalt  }
0x79: {  	_ =	shalt  }
0x7a: {  	_ =	shalt  }
0x7b: {  	_ =	shalt  }
0x7c: {  	_ =	shalt  }
0x7d: {  	_ =	shalt  }
0x7e: {  	_ =	shalt  }
0x7f: {  	_ =	shalt  }
0x80: {  	_ =	shalt  }
0x81: {  	_ =	shalt  }
0x82: {  	_ =	shalt  }
0x83: {  	_ =	shalt  }
0x84: {  	_ =	shalt  }
0x85: {  	_ =	shalt  }
0x86: {  	_ =	shalt  }
0x87: {  	_ =	shalt  }
.Lfunc_end0:
.L_simem_size_0:
called_computation_lowered:
.L_overlay_start_0:
0x88: {  	s2 =	sld [smem:$0x3FD9]  }
0x89: {  	s3 =	sld [smem:$0x3FFE];
	_ =	sdelay $0x1  }
0x8a: {  	s1 =	srdreg.scid  }
0x8b: {  	s0 =	sand.u32 $0x1, s1  }
0x8c: {  	s17 =	sshll.u32 s0, $0xA;
	s2 =	sadd.s32 s3, s2  }
0x8d: {  	s2 =	sadd.s32 s2, s17  }
0x8e: {  	[smem:$0x3FC4] =	sst s2  }
0x8f: {  	_ = 	snop  }
0x90: {  	s2 =	sld [smem:$0x3FD0];
	(tm) =	ssettm $0x1  }
0x91: {  	s18 =	sld [smem:$0x3FFB];
	_ =	sdelay $0x3  }
0x92: {  	_ =	strace s18  }
0x93: {  	s3 =	sld [smem:$0x3FFC];
	_ =	sdelay $0x3  }
0x94: {  	_ =	strace s3  }
0x95: {  	s3 =	sld [smem:$0x3FFD];
	_ =	sdelay $0x3  }
0x96: {  	_ =	strace s3  }
0x97: {  	_ =	strace $0x8FFFFFFF  }
0x98: {  	s19 =	sld [smem:$0x3FDB];
	_ =	sdelay $0x1  }
0x99: {  	s4 =	simm.s32 $_scs_section_size  }
0x9a: {  	s5 =	simm.s32 $_size__tile_overlayer_lowered;
	s6 =	simm.s32 $_tile_overlayer_lowered  }
0x9b: {  	s22 =	simm.s32 $0x1BFF;
	s21 =	sshll.u32 s6, $0x1;
	s3 =	sadd.s32 s4, s19  }
0x9c: {  	s7 =	simm.s32 $0x0;
	s20 =	sshll.u32 s5, $0x1;
	s5 =	sadd.s32 s21, s3  }
0x9d: {  	[timem:s7], [sflag:s22] =	dma.local [hbm:s5], s20  }
0x9e: {  	_ =	swait.ge [sflag:s22], s20  }
0x9f: {  	s4 =	ssub.s32 $0x0, s20;
	[sflag:s22] =	ssyncset.done $0x0  }
0xa0: {  	[sflag:s22] =	ssyncadd.s32 s4;
	_ =	sdelay $0x1  }
0xa1: {  	s23 =	simm.s32 $0x1B8B  }
0xa2: {  	_ =	swait.ge [sflag:s23], $0x1  }
0xa3: {  	[sflag:s23] =	ssyncset.done $0x0  }
0xa4: {  	s25 =	simm.s32 $0x1B8E;
	s24 =	sld [smem:$0x3FFE];
	[sflag:s23] =	ssyncadd.s32 $0xFFFFFFFF  }
0xa5: {  	s26 =	simm.s32 $execute0_lowered;
	[smem:$0x3FD2] =	sst s25  }
0xa6: {  	s5 =	sshll.u32 s26, $0x1;
	_ =	strace $0x80000046;
	[dreg:$0x1] =	wrdreg $0xFFFFFFFF  }
0xa7: {  	s28 =	simm.s32 $_size_execute0_lowered;
	s3 =	sadd.s32 s3, s5;
	[dreg:$0x0] =	wrdreg $0x0  }
0xa8: {  	s5 =	sshll.u32 s28, $0x1;
	[dreg:$0x2] =	wrdreg s3  }
0xa9: {  	[dreg:$0x3] =	wrdreg s5  }
0xaa: {  	[dreg:$0x4] =	wrdreg $0xC0  }
0xab: {  	_ =	task [dreg:s7], $0x5FFFF  }
0xac: {  	[dreg:$0x1] =	wrdreg $0xFFFFFFFF  }
0xad: {  	[dreg:$0x0] =	wrdreg $0x60  }
0xae: {  	[dreg:$0x2] =	wrdreg s24  }
0xaf: {  	[dreg:$0x3] =	wrdreg s2  }
0xb0: {  	[dreg:$0x4] =	wrdreg $0x9  }
0xb1: {  	_ =	task.clear_ibuf [dreg:s7], $0x5FFFF;
	_ =	strace $0x90000046  }
0xb2: {  	s29 =	simm.s32 $0x9;
	_ =	strace $0x80000048  }
0xb3: {  	_ =	swait.ge [sflag:s29], $0x1  }
0xb4: {  	[sflag:s29] =	ssyncadd.s32 $0xFFFFFFFF  }
0xb5: {  	_ =	strace $0x90000048  }
0xb6: {  	_ =	sfence  }
0xb7: {  	s30 =	sld [smem:$0x0];
	_ =	sdelay $0x2  }
0xb8: {  	s31 =	sshll.u32 s1, $0xD;
	s1 =	sshrl.u32 s1, $0x2  }
0xb9: {  	s3 =	sand.u32 $0x4000, s31;
	s1 =	sadd.s32 s1, s30  }
0xba: {  	s0 =	sor.u32 s3, s0;
	s1 =	sshll.u32 s1, $0x11  }
0xbb: {  	s0 =	sor.u32 s1, s0  }
0xbc: {  	s0 =	sadd.s32 $0x8F2B, s0  }
0xbd: {  	[sflag:s0] =	ssyncadd.remote.s32 $0x1  }
0xbe: {  	_ =	sfence.sel $0xFFFF  }
0xbf: {  	[dreg:$0x0] =	wrdreg $0xFFFFFFFF;
	(pc) =	sbr.abs _section_cstart, $3  }
0xc0: {  	[dreg:$0x1] =	wrdreg $0xFFFFFFFF  }
0xc1: {  	_ =	task.clear_ibuf [dreg:s7], $0x2FFFF;
	_ =	strace $0x9FFFFFFF  }
0xc2: {  	(tm) =	ssettm $0x7FFFFFFF  }
0xc3: {  	_ =	shalt  }
tec
execute0_lowered:
.L_overlay_start_1:
0x0: {  	(tag) =	ssettag $0x1  }
0x1: {  	s0 =	rddreg [dreg:$0x0]  }
0x2: {  	s12 =	rddreg [dreg:$0x1]  }
0x3: {  	s2 =	simm.s32 $0x0;
	s1 =	srdreg.scid;
	s11 =	stileid.u32  }
0x4: {  	s28 =	simm.s32 $0x1;
	s29 =	simm.s32 $0x1A780;
	s30 =	simm.s32 $0x2  }
0x5: {  	[smem:$0x7FF] =	sst s2;
	s1 =	sand.u32 $0x1, s1;
	s5 =	sadd.s32 $0x187400, s0  }
0x6: {  	s4 =	sadd.s32 $0x400, s0;
	s6 =	smul.u32 $0xC3800, s11;
	s7 =	sadd.s32 $0x188400, s0  }
0x7: {  	s9 =	sshll.u32 s11, $0x1;
	s23 =	sadd.s32 $0x200, s12;
	s15 =	sadd.s32 $0x400, s12  }
0x8: {  	s18 =	sadd.s32 $0x600, s12;
	_ =	strace $0x80000047;
	s3 =	ssub.s32 $0x2, s1  }
0x9: {  	s20 =	sshll.u32 s1, $0x9;
	s1 =	sor.u32 s1, s9;
	[dreg:$0x5] =	wrdreg s23  }
0xa: {  	s23 =	simm.s32 $0x5;
	s8 =	sshrl.u32 s3, $0x1;
	s10 =	sor.u32 s20, s6  }
0xb: {  	s9 =	smul.u32 $0x61A80, s1;
	s24 =	sor.u32 $0x180, s20;
	s13 =	sor.u32 $0x100, s20  }
0xc: {  	s14 =	sor.u32 $0x80, s20;
	s19 =	ssub.s32 s3, s8;
	s8 =	sshll.u32 s11, $0xB  }
0xd: {  	s10 =	sshrl.u32 s10, $0x3;
	s25 =	sor.u32 s6, s24;
	s11 =	sor.u32 s20, s8  }
0xe: {  	s21 =	sadd.s32 s4, s10;
	s3 =	sshrl.u32 s25, $0x3;
	s26 =	sshrl.u32 s9, $0x3  }
0xf: {  	s0 =	smax.u32 s19, $0x1;
	s25 =	simm.s32 $0x0;
	[dreg:$0x3] =	wrdreg s21  }
0x10: {  	s22 =	sshrl.u32 s11, $0x3;
	s16 =	sadd.s32 s4, s3;
	s31 =	sadd.s32 s7, s26  }
.Ltmp0:
0x11: {  	[dreg:$0x7] =	wrdreg s0;
	s1 =	sadd.s32 s5, s22;
	(pc) =	sbr.rel .LBB2_1-.Ltmp0, $4  }
0x12: {  	s21 =	simm.s32 $0x80;
	[dreg:$0x4] =	wrdreg s1;
	s1 =	sor.u32 s8, s24  }
0x13: {  	s26 =	simm.s32 $0x19780;
	s0 =	simm.s32 $0x3;
	s1 =	sshrl.u32 s1, $0x3  }
0x14: {  	s3 =	simm.s32 $0x4;
	s17 =	sadd.s32 s5, s1;
	s1 =	sadd.s32 $0xC200, s31  }
0x15: {  	s22 =	simm.s32 $0x400;
	s24 =	simm.s32 $0x18680;
	[dreg:$0x6] =	wrdreg s1  }
.LBB2_23:
0x16: {  	s1 =	rddreg [dreg:$0x6];
	s10 =	simm.s32 $0x1B780  }
0x17: {  	[hbm4b:s1+s2] =	stream.linear.scatter [tilespmem:s10], [sflag:$0x4], $0xA80, $0x38;
	[tilespmem:$0x1C780] =	vst v63  }
0x18: {  	_ =	swait.ge [sflag:s0], $0x1000  }
0x19: {  	[sflag:s0] =	ssyncset.done $0x0  }
0x1a: {  	[sflag:s0] =	ssyncadd.s32 $0xFFFFF000  }
0x1b: {  	_ =	swait.ge [sflag:s3], $0xA80  }
0x1c: {  	s25 =	sadd.s32 $0x1, s25;
	s31 =	rddreg [dreg:$0x7]  }
0x1d: {  	p0 =	sne.s32 s25, s31  }
.Ltmp1:
0x1e: {  	_ = 	snop;
	(pc) =	sbr.rel @!p0 .LBB2_24-.Ltmp1, $3  }
0x1f: {  	_ =	sdelay $0x1  }
0x20: {  	[sflag:s3] =	ssyncset.done $0x0  }
0x21: {  	[sflag:s3] =	ssyncadd.s32 $0xFFFFF580  }
.LBB2_1:
0x22: {  	s1 =	rddreg [dreg:$0x3]  }
0x23: {  	[tilespmem:s2], [sflag:$0x5] =	stream.strided.gather [hbm4b:s1+s21], $0x18680, s22, s21, $0x38;
	[tilespmem:$0x1C780] =	vst v63  }
0x24: {  	_ =	swait.ge [sflag:s23], $0x18680  }
0x25: {  	[sflag:s23] =	ssyncset.done $0x0  }
0x26: {  	s12 =	rddreg [dreg:$0x4];
	[sflag:s23] =	ssyncadd.s32 $0xFFFE7980  }
0x27: {  	[tilespmem:s24], [sflag:$0x5] =	stream.strided.gather [hbm4b:s12+s21], $0x100, s22, s21, $0x38;
	[tilespmem:$0x1C780] =	vst v63  }
0x28: {  	_ =	swait.ge [sflag:s23], $0x100  }
0x29: {  	[sflag:s23] =	ssyncset.done $0x0  }
0x2a: {  	[sflag:s23] =	ssyncadd.s32 $0xFFFFFF00  }
0x2b: {  	s10 =	simm.s32 $0x18780;
	s19 =	rddreg [dreg:$0x1]  }
0x2c: {  	[tilespmem:s10], [sflag:$0x1] =	stream.linear.gather [hbm4b:s19+s2], $0x1000, $0x38;
	[tilespmem:$0x1C780] =	vst v63  }
0x2d: {  	s31 =	simm.s32 $0x0;
	s20 =	rddreg [dreg:$0x5]  }
0x2e: {  	[tilespmem:s26], [sflag:$0x2] =	stream.linear.gather [hbm4b:s20+s2], $0x1000, $0x38;
	[tilespmem:$0x1C780] =	vst v63  }
.LBB2_2:
0x2f: {  	_ =	swait.ge [sflag:s28], $0x1000  }
0x30: {  	p0 =	seq.s32 s31, $0x0;
	[sflag:s28] =	ssyncset.done $0x0  }
0x31: {  	s1 =	simm.s32 @!p0 $0x3;
	[sflag:s28] =	ssyncadd.s32 $0xFFFFF000  }
0x32: {  	_ =	swait.ge @!p0 [sflag:s1], $0x1000  }
0x33: {  	[sflag:s1] =	ssyncset.done @!p0 $0x0  }
0x34: {  	s10 =	simm.s32 $0x0;
	[sflag:s1] =	ssyncadd.s32 @!p0 $0xFFFFF000  }
0x35: {  	v0 =	vld [tilespmem:s10+$0x18780];
	_ =	sdelay $0x4  }
0x36: {  	v4 =	vand.u32 $0x1FFFF, v0;
	v0 =	vshrl.u32 v0, $0x11  }
0x37: {  	v0 =	vadd.s32 $0x186A0, v0;
	_ =	sdelay $0x2  }
0x38: {  	v1 =	vld [tilespmem:s10+$0x18790]  }
0x39: {  	v4 =	vld.idx.msk [tilespmem:v4+s2+$0x0], $0xffff  }
0x3a: {  	v0 =	vld.idx.msk [tilespmem:v0+s2+$0x0], $0xffff;
	_ =	sdelay $0x2  }
0x3b: {  	v13 =	vshrl.u32 v1, $0x11;
	v1 =	vand.u32 $0x1FFFF, v1  }
0x3c: {  	v13 =	vadd.s32 $0x186A0, v13  }
0x3d: {  	v4 =	vadd.f32 v0, v4;
	_ =	sdelay $0x1  }
0x3e: {  	v2 =	vld [tilespmem:s10+$0x187A0];
	[tilespmem:s10+$0x1A780] =	vst v4  }
0x3f: {  	v1 =	vld.idx.msk [tilespmem:v1+s2+$0x0], $0xffff  }
0x40: {  	v4 =	vld.idx.msk [tilespmem:v13+s2+$0x0], $0xffff;
	_ =	sdelay $0x2  }
0x41: {  	v63 =	vshrl.u32 v2, $0x11;
	v2 =	vand.u32 $0x1FFFF, v2  }
0x42: {  	v13 =	vadd.s32 $0x186A0, v63  }
0x43: {  	v1 =	vadd.f32 v4, v1;
	_ =	sdelay $0x1  }
0x44: {  	v3 =	vld [tilespmem:s10+$0x187B0];
	[tilespmem:s10+$0x1A790] =	vst v1  }
0x45: {  	v1 =	vld.idx.msk [tilespmem:v2+s2+$0x0], $0xffff  }
0x46: {  	v2 =	vld.idx.msk [tilespmem:v13+s2+$0x0], $0xffff;
	_ =	sdelay $0x2  }
0x47: {  	v4 =	vshrl.u32 v3, $0x11;
	v3 =	vand.u32 $0x1FFFF, v3  }
0x48: {  	v4 =	vadd.s32 $0x186A0, v4  }
0x49: {  	v1 =	vadd.f32 v2, v1;
	_ =	sdelay $0x1  }
0x4a: {  	v5 =	vld [tilespmem:s10+$0x187C0];
	[tilespmem:s10+$0x1A7A0] =	vst v1  }
0x4b: {  	v1 =	vld.idx.msk [tilespmem:v3+s2+$0x0], $0xffff  }
0x4c: {  	v2 =	vld.idx.msk [tilespmem:v4+s2+$0x0], $0xffff;
	_ =	sdelay $0x2  }
0x4d: {  	v3 =	vshrl.u32 v5, $0x11;
	v4 =	vand.u32 $0x1FFFF, v5  }
0x4e: {  	v3 =	vadd.s32 $0x186A0, v3  }
0x4f: {  	v1 =	vadd.f32 v2, v1;
	_ =	sdelay $0x1  }
0x50: {  	v6 =	vld [tilespmem:s10+$0x187D0];
	[tilespmem:s10+$0x1A7B0] =	vst v1  }
0x51: {  	v1 =	vld.idx.msk [tilespmem:v4+s2+$0x0], $0xffff  }
0x52: {  	v2 =	vld.idx.msk [tilespmem:v3+s2+$0x0], $0xffff;
	_ =	sdelay $0x2  }
0x53: {  	v3 =	vshrl.u32 v6, $0x11;
	v4 =	vand.u32 $0x1FFFF, v6  }
0x54: {  	v3 =	vadd.s32 $0x186A0, v3  }
0x55: {  	v1 =	vadd.f32 v2, v1;
	_ =	sdelay $0x1  }
0x56: {  	v7 =	vld [tilespmem:s10+$0x187E0];
	[tilespmem:s10+$0x1A7C0] =	vst v1  }
0x57: {  	v1 =	vld.idx.msk [tilespmem:v4+s2+$0x0], $0xffff  }
0x58: {  	v2 =	vld.idx.msk [tilespmem:v3+s2+$0x0], $0xffff;
	_ =	sdelay $0x2  }
0x59: {  	v3 =	vshrl.u32 v7, $0x11;
	v4 =	vand.u32 $0x1FFFF, v7  }
0x5a: {  	v3 =	vadd.s32 $0x186A0, v3  }
0x5b: {  	v1 =	vadd.f32 v2, v1;
	_ =	sdelay $0x1  }
0x5c: {  	v8 =	vld [tilespmem:s10+$0x187F0];
	[tilespmem:s10+$0x1A7D0] =	vst v1  }
0x5d: {  	v1 =	vld.idx.msk [tilespmem:v4+s2+$0x0], $0xffff  }
0x5e: {  	v2 =	vld.idx.msk [tilespmem:v3+s2+$0x0], $0xffff;
	_ =	sdelay $0x2  }
0x5f: {  	v3 =	vshrl.u32 v8, $0x11;
	v4 =	vand.u32 $0x1FFFF, v8  }
0x60: {  	v3 =	vadd.s32 $0x186A0, v3  }
0x61: {  	v1 =	vadd.f32 v2, v1;
	_ =	sdelay $0x1  }
0x62: {  	v9 =	vld [tilespmem:s10+$0x18800];
	[tilespmem:s10+$0x1A7E0] =	vst v1  }
0x63: {  	v1 =	vld.idx.msk [tilespmem:v4+s2+$0x0], $0xffff  }
0x64: {  	v2 =	vld.idx.msk [tilespmem:v3+s2+$0x0], $0xffff;
	_ =	sdelay $0x2  }
0x65: {  	v3 =	vshrl.u32 v9, $0x11;
	v4 =	vand.u32 $0x1FFFF, v9  }
0x66: {  	v3 =	vadd.s32 $0x186A0, v3  }
0x67: {  	v1 =	vadd.f32 v2, v1;
	_ =	sdelay $0x1  }
0x68: {  	v10 =	vld [tilespmem:s10+$0x18810];
	[tilespmem:s10+$0x1A7F0] =	vst v1  }
0x69: {  	v1 =	vld.idx.msk [tilespmem:v4+s2+$0x0], $0xffff  }
0x6a: {  	v2 =	vld.idx.msk [tilespmem:v3+s2+$0x0], $0xffff;
	_ =	sdelay $0x2  }
0x6b: {  	v3 =	vshrl.u32 v10, $0x11;
	v4 =	vand.u32 $0x1FFFF, v10  }
0x6c: {  	v3 =	vadd.s32 $0x186A0, v3  }
0x6d: {  	v1 =	vadd.f32 v2, v1;
	_ =	sdelay $0x1  }
0x6e: {  	v11 =	vld [tilespmem:s10+$0x18820];
	[tilespmem:s10+$0x1A800] =	vst v1  }
0x6f: {  	v1 =	vld.idx.msk [tilespmem:v4+s2+$0x0], $0xffff  }
0x70: {  	v2 =	vld.idx.msk [tilespmem:v3+s2+$0x0], $0xffff;
	_ =	sdelay $0x2  }
0x71: {  	v3 =	vshrl.u32 v11, $0x11;
	v4 =	vand.u32 $0x1FFFF, v11  }
0x72: {  	v3 =	vadd.s32 $0x186A0, v3  }
0x73: {  	v1 =	vadd.f32 v2, v1;
	_ =	sdelay $0x1  }
0x74: {  	v12 =	vld [tilespmem:s10+$0x18830];
	[tilespmem:s10+$0x1A810] =	vst v1  }
0x75: {  	v1 =	vld.idx.msk [tilespmem:v4+s2+$0x0], $0xffff  }
0x76: {  	v2 =	vld.idx.msk [tilespmem:v3+s2+$0x0], $0xffff;
	_ =	sdelay $0x2  }
0x77: {  	v3 =	vshrl.u32 v12, $0x11;
	v4 =	vand.u32 $0x1FFFF, v12  }
0x78: {  	v3 =	vadd.s32 $0x186A0, v3  }
0x79: {  	v1 =	vadd.f32 v2, v1;
	_ =	sdelay $0x1  }
0x7a: {  	v14 =	vld [tilespmem:s10+$0x18840];
	[tilespmem:s10+$0x1A820] =	vst v1  }
0x7b: {  	v1 =	vld.idx.msk [tilespmem:v4+s2+$0x0], $0xffff  }
0x7c: {  	v2 =	vld.idx.msk [tilespmem:v3+s2+$0x0], $0xffff;
	_ =	sdelay $0x2  }
0x7d: {  	v3 =	vshrl.u32 v14, $0x11;
	v4 =	vand.u32 $0x1FFFF, v14  }
0x7e: {  	v3 =	vadd.s32 $0x186A0, v3  }
0x7f: {  	v1 =	vadd.f32 v2, v1;
	_ =	sdelay $0x1  }
0x80: {  	v15 =	vld [tilespmem:s10+$0x18850];
	[tilespmem:s10+$0x1A830] =	vst v1  }
0x81: {  	v1 =	vld.idx.msk [tilespmem:v4+s2+$0x0], $0xffff  }
0x82: {  	v2 =	vld.idx.msk [tilespmem:v3+s2+$0x0], $0xffff;
	_ =	sdelay $0x2  }
0x83: {  	v3 =	vshrl.u32 v15, $0x11;
	v4 =	vand.u32 $0x1FFFF, v15  }
0x84: {  	v3 =	vadd.s32 $0x186A0, v3  }
0x85: {  	v1 =	vadd.f32 v2, v1;
	_ =	sdelay $0x1  }
0x86: {  	v16 =	vld [tilespmem:s10+$0x18860];
	[tilespmem:s10+$0x1A840] =	vst v1  }
0x87: {  	v1 =	vld.idx.msk [tilespmem:v4+s2+$0x0], $0xffff  }
0x88: {  	v2 =	vld.idx.msk [tilespmem:v3+s2+$0x0], $0xffff;
	_ =	sdelay $0x2  }
0x89: {  	v3 =	vshrl.u32 v16, $0x11;
	v4 =	vand.u32 $0x1FFFF, v16  }
0x8a: {  	v0 =	vld [tilespmem:s10+$0x18870];
	v3 =	vadd.s32 $0x186A0, v3  }
0x8b: {  	v1 =	vadd.f32 v2, v1;
	_ =	sdelay $0x1  }
0x8c: {  	[tilespmem:s10+$0x1A850] =	vst v1  }
0x8d: {  	v2 =	vld.idx.msk [tilespmem:v4+s2+$0x0], $0xffff  }
0x8e: {  	s11 =	sshll.u32 s31, $0xD;
	s12 =	simm.s32 $0x400;
	s1 =	sshll.u32 s31, $0x1;
	v1 =	vshrl.u32 v0, $0x11;
	v3 =	vld.idx.msk [tilespmem:v3+s2+$0x0], $0xffff  }
.LBB2_3:
0x8f: {  	p1 =	sne.s32 s12, $0x3C00;
	s19 =	smov.u32 s12;
	s12 =	sadd.s32 $0x400, s12  }
0x90: {  	_ = 	snop  }
0x91: {  	v0 =	vand.u32 $0x1FFFF, v0;
	v1 =	vadd.s32 $0x186A0, v1;
	_ =	sdelay $0x1  }
0x92: {  	v2 =	vadd.f32 v3, v2  }
0x93: {  	s19 =	sshra.s32 s19, $0x2  }
0x94: {  	v3 =	vld [tilespmem:s19+$0x18780];
	[tilespmem:s10+$0x1A860] =	vst v2  }
0x95: {  	v1 =	vld.idx.msk [tilespmem:v1+s2+$0x0], $0xffff  }
0x96: {  	v0 =	vld.idx.msk [tilespmem:v0+s2+$0x0], $0xffff  }
0x97: {  	v2 =	vld [tilespmem:s19+$0x18790]  }
0x98: {  	v16 =	vld [tilespmem:s19+$0x187A0]  }
0x99: {  	v17 =	vld [tilespmem:s19+$0x187B0]  }
0x9a: {  	v4 =	vand.u32 $0x1FFFF, v3;
	v3 =	vshrl.u32 v3, $0x11;
	v18 =	vld [tilespmem:s19+$0x187C0]  }
0x9b: {  	v3 =	vadd.s32 $0x186A0, v3;
	v19 =	vld [tilespmem:s19+$0x187D0]  }
0x9c: {  	v0 =	vadd.f32 v1, v0;
	v6 =	vshrl.u32 v2, $0x11;
	v20 =	vld [tilespmem:s19+$0x187E0]  }
0x9d: {  	v21 =	vshrl.u32 v16, $0x11;
	v15 =	vld [tilespmem:s19+$0x187F0]  }
0x9e: {  	v22 =	vshrl.u32 v17, $0x11;
	v13 =	vld [tilespmem:s19+$0x18800];
	[tilespmem:s10+$0x1A870] =	vst v0;
	s10 =	smov.u32 s19  }
0x9f: {  	v0 =	vld.idx.msk [tilespmem:v4+s2+$0x0], $0xffff;
	v23 =	vshrl.u32 v18, $0x11  }
0xa0: {  	v1 =	vld.idx.msk [tilespmem:v3+s2+$0x0], $0xffff;
	v24 =	vshrl.u32 v19, $0x11  }
0xa1: {  	v25 =	vshrl.u32 v20, $0x11;
	v11 =	vld [tilespmem:s10+$0x18810]  }
0xa2: {  	v26 =	vshrl.u32 v15, $0x11;
	v9 =	vld [tilespmem:s10+$0x18820]  }
0xa3: {  	v27 =	vshrl.u32 v13, $0x11;
	v7 =	vld [tilespmem:s10+$0x18830]  }
0xa4: {  	v4 =	vand.u32 $0x1FFFF, v2;
	v5 =	vld [tilespmem:s10+$0x18840]  }
0xa5: {  	v6 =	vadd.s32 $0x186A0, v6;
	v3 =	vld [tilespmem:s10+$0x18850]  }
0xa6: {  	v1 =	vadd.f32 v1, v0;
	v14 =	vshrl.u32 v11, $0x11;
	v2 =	vld [tilespmem:s10+$0x18860]  }
0xa7: {  	v12 =	vshrl.u32 v9, $0x11;
	v0 =	vld [tilespmem:s10+$0x18870]  }
0xa8: {  	[tilespmem:s10+$0x1A780] =	vst v1;
	v10 =	vshrl.u32 v7, $0x11  }
0xa9: {  	v28 =	vld.idx.msk [tilespmem:v4+s2+$0x0], $0xffff;
	v8 =	vshrl.u32 v5, $0x11  }
0xaa: {  	v29 =	vld.idx.msk [tilespmem:v6+s2+$0x0], $0xffff;
	v6 =	vshrl.u32 v3, $0x11  }
0xab: {  	v4 =	vshrl.u32 v2, $0x11  }
0xac: {  	v1 =	vshrl.u32 v0, $0x11;
	_ =	sdelay $0x1  }
0xad: {  	v16 =	vand.u32 $0x1FFFF, v16  }
0xae: {  	v21 =	vadd.s32 $0x186A0, v21  }
0xaf: {  	v28 =	vadd.f32 v29, v28;
	_ =	sdelay $0x1  }
0xb0: {  	[tilespmem:s10+$0x1A790] =	vst v28  }
0xb1: {  	v16 =	vld.idx.msk [tilespmem:v16+s2+$0x0], $0xffff  }
0xb2: {  	v21 =	vld.idx.msk [tilespmem:v21+s2+$0x0], $0xffff;
	_ =	sdelay $0x3  }
0xb3: {  	v17 =	vand.u32 $0x1FFFF, v17  }
0xb4: {  	v22 =	vadd.s32 $0x186A0, v22  }
0xb5: {  	v16 =	vadd.f32 v21, v16;
	_ =	sdelay $0x1  }
0xb6: {  	[tilespmem:s10+$0x1A7A0] =	vst v16  }
0xb7: {  	v16 =	vld.idx.msk [tilespmem:v17+s2+$0x0], $0xffff  }
0xb8: {  	v17 =	vld.idx.msk [tilespmem:v22+s2+$0x0], $0xffff;
	_ =	sdelay $0x3  }
0xb9: {  	v18 =	vand.u32 $0x1FFFF, v18  }
0xba: {  	v21 =	vadd.s32 $0x186A0, v23  }
0xbb: {  	v16 =	vadd.f32 v17, v16;
	_ =	sdelay $0x1  }
0xbc: {  	[tilespmem:s10+$0x1A7B0] =	vst v16  }
0xbd: {  	v16 =	vld.idx.msk [tilespmem:v18+s2+$0x0], $0xffff  }
0xbe: {  	v17 =	vld.idx.msk [tilespmem:v21+s2+$0x0], $0xffff;
	_ =	sdelay $0x3  }
0xbf: {  	v18 =	vand.u32 $0x1FFFF, v19  }
0xc0: {  	v19 =	vadd.s32 $0x186A0, v24  }
0xc1: {  	v16 =	vadd.f32 v17, v16;
	_ =	sdelay $0x1  }
0xc2: {  	[tilespmem:s10+$0x1A7C0] =	vst v16  }
0xc3: {  	v16 =	vld.idx.msk [tilespmem:v18+s2+$0x0], $0xffff  }
0xc4: {  	v17 =	vld.idx.msk [tilespmem:v19+s2+$0x0], $0xffff;
	_ =	sdelay $0x3  }
0xc5: {  	v18 =	vand.u32 $0x1FFFF, v20  }
0xc6: {  	v19 =	vadd.s32 $0x186A0, v25  }
0xc7: {  	v16 =	vadd.f32 v17, v16;
	_ =	sdelay $0x1  }
0xc8: {  	[tilespmem:s10+$0x1A7D0] =	vst v16  }
0xc9: {  	v16 =	vld.idx.msk [tilespmem:v18+s2+$0x0], $0xffff  }
0xca: {  	v17 =	vld.idx.msk [tilespmem:v19+s2+$0x0], $0xffff;
	_ =	sdelay $0x3  }
0xcb: {  	v15 =	vand.u32 $0x1FFFF, v15  }
0xcc: {  	v18 =	vadd.s32 $0x186A0, v26  }
0xcd: {  	v16 =	vadd.f32 v17, v16;
	_ =	sdelay $0x1  }
0xce: {  	[tilespmem:s10+$0x1A7E0] =	vst v16  }
0xcf: {  	v15 =	vld.idx.msk [tilespmem:v15+s2+$0x0], $0xffff  }
0xd0: {  	v16 =	vld.idx.msk [tilespmem:v18+s2+$0x0], $0xffff;
	_ =	sdelay $0x3  }
0xd1: {  	v13 =	vand.u32 $0x1FFFF, v13  }
0xd2: {  	v17 =	vadd.s32 $0x186A0, v27  }
0xd3: {  	v15 =	vadd.f32 v16, v15;
	_ =	sdelay $0x1  }
0xd4: {  	[tilespmem:s10+$0x1A7F0] =	vst v15  }
0xd5: {  	v13 =	vld.idx.msk [tilespmem:v13+s2+$0x0], $0xffff  }
0xd6: {  	v15 =	vld.idx.msk [tilespmem:v17+s2+$0x0], $0xffff;
	_ =	sdelay $0x3  }
0xd7: {  	v11 =	vand.u32 $0x1FFFF, v11  }
0xd8: {  	v14 =	vadd.s32 $0x186A0, v14  }
0xd9: {  	v13 =	vadd.f32 v15, v13;
	_ =	sdelay $0x1  }
0xda: {  	[tilespmem:s10+$0x1A800] =	vst v13  }
0xdb: {  	v11 =	vld.idx.msk [tilespmem:v11+s2+$0x0], $0xffff  }
0xdc: {  	v13 =	vld.idx.msk [tilespmem:v14+s2+$0x0], $0xffff;
	_ =	sdelay $0x3  }
0xdd: {  	v9 =	vand.u32 $0x1FFFF, v9  }
0xde: {  	v12 =	vadd.s32 $0x186A0, v12  }
0xdf: {  	v11 =	vadd.f32 v13, v11;
	_ =	sdelay $0x1  }
0xe0: {  	[tilespmem:s10+$0x1A810] =	vst v11  }
0xe1: {  	v9 =	vld.idx.msk [tilespmem:v9+s2+$0x0], $0xffff  }
0xe2: {  	v11 =	vld.idx.msk [tilespmem:v12+s2+$0x0], $0xffff;
	_ =	sdelay $0x3  }
0xe3: {  	v7 =	vand.u32 $0x1FFFF, v7  }
0xe4: {  	v10 =	vadd.s32 $0x186A0, v10  }
0xe5: {  	v9 =	vadd.f32 v11, v9;
	_ =	sdelay $0x1  }
0xe6: {  	[tilespmem:s10+$0x1A820] =	vst v9  }
0xe7: {  	v7 =	vld.idx.msk [tilespmem:v7+s2+$0x0], $0xffff  }
0xe8: {  	v9 =	vld.idx.msk [tilespmem:v10+s2+$0x0], $0xffff;
	_ =	sdelay $0x3  }
0xe9: {  	v5 =	vand.u32 $0x1FFFF, v5  }
0xea: {  	v8 =	vadd.s32 $0x186A0, v8  }
0xeb: {  	v7 =	vadd.f32 v9, v7;
	_ =	sdelay $0x1  }
0xec: {  	[tilespmem:s10+$0x1A830] =	vst v7  }
0xed: {  	v5 =	vld.idx.msk [tilespmem:v5+s2+$0x0], $0xffff  }
0xee: {  	v7 =	vld.idx.msk [tilespmem:v8+s2+$0x0], $0xffff;
	_ =	sdelay $0x3  }
0xef: {  	v3 =	vand.u32 $0x1FFFF, v3  }
0xf0: {  	v6 =	vadd.s32 $0x186A0, v6  }
0xf1: {  	v5 =	vadd.f32 v7, v5;
	_ =	sdelay $0x1  }
0xf2: {  	[tilespmem:s10+$0x1A840] =	vst v5  }
0xf3: {  	v3 =	vld.idx.msk [tilespmem:v3+s2+$0x0], $0xffff  }
0xf4: {  	v5 =	vld.idx.msk [tilespmem:v6+s2+$0x0], $0xffff;
	_ =	sdelay $0x3  }
0xf5: {  	v2 =	vand.u32 $0x1FFFF, v2  }
0xf6: {  	v4 =	vadd.s32 $0x186A0, v4  }
.Ltmp2:
0xf7: {  	v3 =	vadd.f32 v5, v3;
	(pc) =	sbr.rel @p1 .LBB2_3-.Ltmp2, $4  }
0xf8: {  	_ = 	snop  }
0xf9: {  	[tilespmem:s10+$0x1A850] =	vst v3  }
0xfa: {  	v2 =	vld.idx.msk [tilespmem:v2+s2+$0x0], $0xffff  }
0xfb: {  	v3 =	vld.idx.msk [tilespmem:v4+s2+$0x0], $0xffff  }
0xfc: {  	_ =	sdelay $0x1  }
0xfd: {  	v1 =	vadd.s32 $0x186A0, v1  }
0xfe: {  	v0 =	vand.u32 $0x1FFFF, v0  }
0xff: {  	v2 =	vadd.f32 v3, v2;
	_ =	sdelay $0x1  }
0x100: {  	[tilespmem:s10+$0x1A860] =	vst v2  }
0x101: {  	v1 =	vld.idx.msk [tilespmem:v1+s2+$0x0], $0xffff  }
0x102: {  	v0 =	vld.idx.msk [tilespmem:v0+s2+$0x0], $0xffff;
	_ =	sdelay $0x1  }
0x103: {  	p1 =	seq.s32 s31, $0xC  }
.Ltmp3:
0x104: {  	_ = 	snop;
	(pc) =	sbr.rel @p1 .LBB2_5-.Ltmp3, $3  }
0x105: {  	_ = 	snop  }
0x106: {  	v0 =	vadd.f32 v1, v0;
	_ =	sdelay $0x1  }
0x107: {  	[tilespmem:s10+$0x1A870] =	vst v0  }
0x108: {  	p1 =	sne.s32 s31, $0x18  }
.Ltmp4:
0x109: {  	_ = 	snop;
	(pc) =	sbr.rel @p1 .LBB2_15-.Ltmp4, $1  }
0x10a: {  	_ =	sdelay $0x3  }
.Ltmp5:
0x10b: {  	(pc) =	sbr.rel .LBB2_8-.Ltmp5, $2  }
0x10c: {  	_ =	sdelay $0x2  }
0x10d: {  	s10 =	simm.s32 $0xD4;
	s12 =	smov.u32 s13  }
.LBB2_5:
0x10e: {  	s10 =	simm.s32 $0x6A;
	s12 =	smov.u32 s14  }
.LBB2_8:
0x10f: {  	s19 =	sor.u32 s6, s12  }
0x110: {  	s19 =	sshrl.u32 s19, $0x3  }
0x111: {  	s19 =	sadd.s32 s4, s19  }
0x112: {  	[tilespmem:s2], [sflag:$0x5] =	stream.strided.gather [hbm4b:s19+s21], $0x18680, s22, s21, $0x38;
	[tilespmem:$0x1C780] =	vst v63  }
0x113: {  	s19 =	sor.u32 s8, s12;
	_ =	swait.ge [sflag:s23], $0x18680  }
0x114: {  	s20 =	sshll.u32 s10, $0x6;
	s12 =	sshrl.u32 s19, $0x3;
	[sflag:s23] =	ssyncset.done $0x0  }
0x115: {  	p2 =	sne.s32 s20, $0x3FC0;
	s12 =	sadd.s32 s5, s12;
	[sflag:s23] =	ssyncadd.s32 $0xFFFE7980  }
0x116: {  	[tilespmem:s24], [sflag:$0x5] =	stream.strided.gather [hbm4b:s12+s21], $0x100, s22, s21, $0x38;
	[tilespmem:$0x1C780] =	vst v63  }
.Ltmp6:
0x117: {  	_ = 	snop;
	(pc) =	sbr.rel @!p2 .LBB2_9-.Ltmp6, $4  }
0x118: {  	_ =	swait.ge [sflag:s23], $0x100  }
0x119: {  	[sflag:s23] =	ssyncset.done $0x0  }
0x11a: {  	s10 =	sshra.s32 s20, $0x2;
	[sflag:s23] =	ssyncadd.s32 $0xFFFFFF00  }
0x11b: {  	p1 =	por $0x0, $0x0;
	s19 =	sadd.s32 $0x40, s20;
	v0 =	vld [tilespmem:s10+$0x18780]  }
0x11c: {  	_ =	sdelay $0x3  }
0x11d: {  	p2 =	sne.s32 s19, $0x3FC0;
	v2 =	vshrl.u32 v0, $0x11  }
.Ltmp7:
0x11e: {  	v2 =	vadd.s32 $0x186A0, v2;
	(pc) =	sbr.rel @!p2 .LBB2_11-.Ltmp7, $3  }
0x11f: {  	v1 =	vand.u32 $0x1FFFF, v0;
	_ =	sdelay $0x1  }
0x120: {  	s12 =	sshra.s32 s19, $0x2  }
0x121: {  	s19 =	sadd.s32 $0x40, s19;
	p1 =	por $0x1, $0x1;
	v0 =	vld [tilespmem:s12+$0x18780]  }
.LBB2_12:
0x122: {  	p2 =	sne.s32 s19, $0x3FC0;
	v3 =	vld.idx.msk [tilespmem:v2+s2+$0x0], $0xffff  }
0x123: {  	v4 =	vld.idx.msk [tilespmem:v1+s2+$0x0], $0xffff;
	_ =	sdelay $0x2  }
0x124: {  	v1 =	vshrl.u32 v0, $0x11  }
.Ltmp8:
0x125: {  	v2 =	vadd.s32 $0x186A0, v1;
	(pc) =	sbr.rel @p2 .LBB2_12-.Ltmp8, $4  }
0x126: {  	v1 =	vand.u32 $0x1FFFF, v0  }
0x127: {  	v3 =	vadd.f32 v3, v4  }
0x128: {  	s20 =	sshra.s32 s19, $0x2  }
0x129: {  	s19 =	sadd.s32 $0x40, s19;
	v0 =	vld [tilespmem:s20+$0x18780];
	[tilespmem:s10+$0x1A780] =	vst v3;
	s10 =	smov.u32 s12;
	s12 =	smov.u32 s20  }
0x12a: {  	s19 =	smov.u32 s10;
	s10 =	smov.u32 s12  }
.LBB2_14:
0x12b: {  	_ =	sdelay $0x3  }
0x12c: {  	v2 =	vld.idx.msk @p1 [tilespmem:v2+s2+$0x0], $0xffff  }
0x12d: {  	v1 =	vld.idx.msk @p1 [tilespmem:v1+s2+$0x0], $0xffff;
	_ =	sdelay $0x2  }
0x12e: {  	v3 =	vshrl.u32 v0, $0x11;
	v63 =	vand.u32 $0x1FFFF, v0  }
0x12f: {  	v3 =	vadd.s32 $0x186A0, v3  }
0x130: {  	v1 =	vadd.f32 @p1 v2, v1;
	_ =	sdelay $0x1  }
0x131: {  	[tilespmem:s19+$0x1A780] =	vst @p1 v1  }
0x132: {  	v0 =	vld.idx.msk [tilespmem:v63+s2+$0x0], $0xffff  }
0x133: {  	v1 =	vld.idx.msk [tilespmem:v3+s2+$0x0], $0xffff;
	_ =	sdelay $0x4  }
0x134: {  	v0 =	vadd.f32 v1, v0;
	_ =	sdelay $0x1  }
0x135: {  	[tilespmem:s10+$0x1A780] =	vst v0  }
.LBB2_15:
0x136: {  	s10 =	sadd.s32 s9, s11  }
0x137: {  	s10 =	sshrl.u32 s10, $0x3  }
0x138: {  	p1 =	seq.s32 s31, $0x30;
	s10 =	sadd.s32 s7, s10  }
0x139: {  	[hbm4b:s10+s2] =	stream.linear.scatter [tilespmem:s29], [sflag:$0x3], $0x1000, $0x38;
	[tilespmem:$0x1C780] =	vst v63  }
0x13a: {  	s10 =	sshll.u32 @!p1 s31, $0xA  }
0x13b: {  	s11 =	simm.s32 @!p1 $0x0;
	s12 =	simm.s32 @!p1 $0x18780;
	s10 =	sadd.s32 @!p1 s10, s15  }
0x13c: {  	[tilespmem:s12], [sflag:$0x1] =	stream.linear.gather @!p1 [hbm4b:s10+s11], $0x1000, $0x38;
	[tilespmem:$0x1C780] =	vst v63  }
0x13d: {  	_ =	swait.ge [sflag:s30], $0x1000  }
0x13e: {  	[sflag:s30] =	ssyncset.done $0x0  }
0x13f: {  	s10 =	simm.s32 @!p0 $0x4;
	[sflag:s30] =	ssyncadd.s32 $0xFFFFF000  }
0x140: {  	_ =	swait.ge @!p0 [sflag:s10], $0x1000  }
0x141: {  	[sflag:s10] =	ssyncset.done @!p0 $0x0  }
0x142: {  	[sflag:s10] =	ssyncadd.s32 @!p0 $0xFFFFF000;
	s10 =	simm.s32 $0x0  }
0x143: {  	v0 =	vld [tilespmem:s10+$0x19780];
	_ =	sdelay $0x4  }
0x144: {  	v4 =	vand.u32 $0x1FFFF, v0;
	v0 =	vshrl.u32 v0, $0x11  }
0x145: {  	v0 =	vadd.s32 $0x186A0, v0;
	_ =	sdelay $0x2  }
0x146: {  	v1 =	vld [tilespmem:s10+$0x19790]  }
0x147: {  	v4 =	vld.idx.msk [tilespmem:v4+s2+$0x0], $0xffff  }
0x148: {  	v0 =	vld.idx.msk [tilespmem:v0+s2+$0x0], $0xffff;
	_ =	sdelay $0x2  }
0x149: {  	v13 =	vshrl.u32 v1, $0x11;
	v1 =	vand.u32 $0x1FFFF, v1  }
0x14a: {  	v13 =	vadd.s32 $0x186A0, v13  }
0x14b: {  	v4 =	vadd.f32 v0, v4;
	_ =	sdelay $0x1  }
0x14c: {  	v2 =	vld [tilespmem:s10+$0x197A0];
	[tilespmem:s10+$0x1B780] =	vst v4  }
0x14d: {  	v1 =	vld.idx.msk [tilespmem:v1+s2+$0x0], $0xffff  }
0x14e: {  	v4 =	vld.idx.msk [tilespmem:v13+s2+$0x0], $0xffff;
	_ =	sdelay $0x2  }
0x14f: {  	v63 =	vshrl.u32 v2, $0x11;
	v2 =	vand.u32 $0x1FFFF, v2  }
0x150: {  	v13 =	vadd.s32 $0x186A0, v63  }
0x151: {  	v1 =	vadd.f32 v4, v1;
	_ =	sdelay $0x1  }
0x152: {  	v3 =	vld [tilespmem:s10+$0x197B0];
	[tilespmem:s10+$0x1B790] =	vst v1  }
0x153: {  	v1 =	vld.idx.msk [tilespmem:v2+s2+$0x0], $0xffff  }
0x154: {  	v2 =	vld.idx.msk [tilespmem:v13+s2+$0x0], $0xffff;
	_ =	sdelay $0x2  }
0x155: {  	v4 =	vshrl.u32 v3, $0x11;
	v3 =	vand.u32 $0x1FFFF, v3  }
0x156: {  	v4 =	vadd.s32 $0x186A0, v4  }
0x157: {  	v1 =	vadd.f32 v2, v1;
	_ =	sdelay $0x1  }
0x158: {  	v5 =	vld [tilespmem:s10+$0x197C0];
	[tilespmem:s10+$0x1B7A0] =	vst v1  }
0x159: {  	v1 =	vld.idx.msk [tilespmem:v3+s2+$0x0], $0xffff  }
0x15a: {  	v2 =	vld.idx.msk [tilespmem:v4+s2+$0x0], $0xffff;
	_ =	sdelay $0x2  }
0x15b: {  	v3 =	vshrl.u32 v5, $0x11;
	v4 =	vand.u32 $0x1FFFF, v5  }
0x15c: {  	v3 =	vadd.s32 $0x186A0, v3  }
0x15d: {  	v1 =	vadd.f32 v2, v1;
	_ =	sdelay $0x1  }
0x15e: {  	v6 =	vld [tilespmem:s10+$0x197D0];
	[tilespmem:s10+$0x1B7B0] =	vst v1  }
0x15f: {  	v1 =	vld.idx.msk [tilespmem:v4+s2+$0x0], $0xffff  }
0x160: {  	v2 =	vld.idx.msk [tilespmem:v3+s2+$0x0], $0xffff;
	_ =	sdelay $0x2  }
0x161: {  	v3 =	vshrl.u32 v6, $0x11;
	v4 =	vand.u32 $0x1FFFF, v6  }
0x162: {  	v3 =	vadd.s32 $0x186A0, v3  }
0x163: {  	v1 =	vadd.f32 v2, v1;
	_ =	sdelay $0x1  }
0x164: {  	v7 =	vld [tilespmem:s10+$0x197E0];
	[tilespmem:s10+$0x1B7C0] =	vst v1  }
0x165: {  	v1 =	vld.idx.msk [tilespmem:v4+s2+$0x0], $0xffff  }
0x166: {  	v2 =	vld.idx.msk [tilespmem:v3+s2+$0x0], $0xffff;
	_ =	sdelay $0x2  }
0x167: {  	v3 =	vshrl.u32 v7, $0x11;
	v4 =	vand.u32 $0x1FFFF, v7  }
0x168: {  	v3 =	vadd.s32 $0x186A0, v3  }
0x169: {  	v1 =	vadd.f32 v2, v1;
	_ =	sdelay $0x1  }
0x16a: {  	v8 =	vld [tilespmem:s10+$0x197F0];
	[tilespmem:s10+$0x1B7D0] =	vst v1  }
0x16b: {  	v1 =	vld.idx.msk [tilespmem:v4+s2+$0x0], $0xffff  }
0x16c: {  	v2 =	vld.idx.msk [tilespmem:v3+s2+$0x0], $0xffff;
	_ =	sdelay $0x2  }
0x16d: {  	v3 =	vshrl.u32 v8, $0x11;
	v4 =	vand.u32 $0x1FFFF, v8  }
0x16e: {  	v3 =	vadd.s32 $0x186A0, v3  }
0x16f: {  	v1 =	vadd.f32 v2, v1;
	_ =	sdelay $0x1  }
0x170: {  	v9 =	vld [tilespmem:s10+$0x19800];
	[tilespmem:s10+$0x1B7E0] =	vst v1  }
0x171: {  	v1 =	vld.idx.msk [tilespmem:v4+s2+$0x0], $0xffff  }
0x172: {  	v2 =	vld.idx.msk [tilespmem:v3+s2+$0x0], $0xffff;
	_ =	sdelay $0x2  }
0x173: {  	v3 =	vshrl.u32 v9, $0x11;
	v4 =	vand.u32 $0x1FFFF, v9  }
0x174: {  	v3 =	vadd.s32 $0x186A0, v3  }
0x175: {  	v1 =	vadd.f32 v2, v1;
	_ =	sdelay $0x1  }
0x176: {  	v10 =	vld [tilespmem:s10+$0x19810];
	[tilespmem:s10+$0x1B7F0] =	vst v1  }
0x177: {  	v1 =	vld.idx.msk [tilespmem:v4+s2+$0x0], $0xffff  }
0x178: {  	v2 =	vld.idx.msk [tilespmem:v3+s2+$0x0], $0xffff;
	_ =	sdelay $0x2  }
0x179: {  	v3 =	vshrl.u32 v10, $0x11;
	v4 =	vand.u32 $0x1FFFF, v10  }
0x17a: {  	v3 =	vadd.s32 $0x186A0, v3  }
0x17b: {  	v1 =	vadd.f32 v2, v1;
	_ =	sdelay $0x1  }
0x17c: {  	v11 =	vld [tilespmem:s10+$0x19820];
	[tilespmem:s10+$0x1B800] =	vst v1  }
0x17d: {  	v1 =	vld.idx.msk [tilespmem:v4+s2+$0x0], $0xffff  }
0x17e: {  	v2 =	vld.idx.msk [tilespmem:v3+s2+$0x0], $0xffff;
	_ =	sdelay $0x2  }
0x17f: {  	v3 =	vshrl.u32 v11, $0x11;
	v4 =	vand.u32 $0x1FFFF, v11  }
0x180: {  	v3 =	vadd.s32 $0x186A0, v3  }
0x181: {  	v1 =	vadd.f32 v2, v1;
	_ =	sdelay $0x1  }
0x182: {  	v12 =	vld [tilespmem:s10+$0x19830];
	[tilespmem:s10+$0x1B810] =	vst v1  }
0x183: {  	v1 =	vld.idx.msk [tilespmem:v4+s2+$0x0], $0xffff  }
0x184: {  	v2 =	vld.idx.msk [tilespmem:v3+s2+$0x0], $0xffff;
	_ =	sdelay $0x2  }
0x185: {  	v3 =	vshrl.u32 v12, $0x11;
	v4 =	vand.u32 $0x1FFFF, v12  }
0x186: {  	v3 =	vadd.s32 $0x186A0, v3  }
0x187: {  	v1 =	vadd.f32 v2, v1;
	_ =	sdelay $0x1  }
0x188: {  	v14 =	vld [tilespmem:s10+$0x19840];
	[tilespmem:s10+$0x1B820] =	vst v1  }
0x189: {  	v1 =	vld.idx.msk [tilespmem:v4+s2+$0x0], $0xffff  }
0x18a: {  	v2 =	vld.idx.msk [tilespmem:v3+s2+$0x0], $0xffff;
	_ =	sdelay $0x2  }
0x18b: {  	v3 =	vshrl.u32 v14, $0x11;
	v4 =	vand.u32 $0x1FFFF, v14  }
0x18c: {  	v3 =	vadd.s32 $0x186A0, v3  }
0x18d: {  	v1 =	vadd.f32 v2, v1;
	_ =	sdelay $0x1  }
0x18e: {  	v15 =	vld [tilespmem:s10+$0x19850];
	[tilespmem:s10+$0x1B830] =	vst v1  }
0x18f: {  	v1 =	vld.idx.msk [tilespmem:v4+s2+$0x0], $0xffff  }
0x190: {  	v2 =	vld.idx.msk [tilespmem:v3+s2+$0x0], $0xffff;
	_ =	sdelay $0x2  }
0x191: {  	v3 =	vshrl.u32 v15, $0x11;
	v4 =	vand.u32 $0x1FFFF, v15  }
0x192: {  	v3 =	vadd.s32 $0x186A0, v3  }
0x193: {  	v1 =	vadd.f32 v2, v1;
	_ =	sdelay $0x1  }
0x194: {  	v16 =	vld [tilespmem:s10+$0x19860];
	[tilespmem:s10+$0x1B840] =	vst v1  }
0x195: {  	v1 =	vld.idx.msk [tilespmem:v4+s2+$0x0], $0xffff  }
0x196: {  	v2 =	vld.idx.msk [tilespmem:v3+s2+$0x0], $0xffff;
	_ =	sdelay $0x2  }
0x197: {  	v3 =	vshrl.u32 v16, $0x11;
	v4 =	vand.u32 $0x1FFFF, v16  }
0x198: {  	v0 =	vld [tilespmem:s10+$0x19870];
	v3 =	vadd.s32 $0x186A0, v3  }
0x199: {  	v1 =	vadd.f32 v2, v1;
	_ =	sdelay $0x1  }
0x19a: {  	[tilespmem:s10+$0x1B850] =	vst v1  }
0x19b: {  	s1 =	sor.u32 $0x1, s1;
	v2 =	vld.idx.msk [tilespmem:v4+s2+$0x0], $0xffff  }
0x19c: {  	s11 =	sshll.u32 s1, $0xC;
	s12 =	simm.s32 $0x400;
	v1 =	vshrl.u32 v0, $0x11;
	v3 =	vld.idx.msk [tilespmem:v3+s2+$0x0], $0xffff  }
.LBB2_16:
0x19d: {  	p0 =	sne.s32 s12, $0x3C00;
	s19 =	smov.u32 s12;
	s12 =	sadd.s32 $0x400, s12  }
0x19e: {  	_ = 	snop  }
0x19f: {  	v0 =	vand.u32 $0x1FFFF, v0;
	v1 =	vadd.s32 $0x186A0, v1;
	_ =	sdelay $0x1  }
0x1a0: {  	v2 =	vadd.f32 v3, v2  }
0x1a1: {  	s19 =	sshra.s32 s19, $0x2  }
0x1a2: {  	v3 =	vld [tilespmem:s19+$0x19780];
	[tilespmem:s10+$0x1B860] =	vst v2  }
0x1a3: {  	v1 =	vld.idx.msk [tilespmem:v1+s2+$0x0], $0xffff  }
0x1a4: {  	v0 =	vld.idx.msk [tilespmem:v0+s2+$0x0], $0xffff  }
0x1a5: {  	v2 =	vld [tilespmem:s19+$0x19790]  }
0x1a6: {  	v16 =	vld [tilespmem:s19+$0x197A0]  }
0x1a7: {  	v17 =	vld [tilespmem:s19+$0x197B0]  }
0x1a8: {  	v4 =	vand.u32 $0x1FFFF, v3;
	v3 =	vshrl.u32 v3, $0x11;
	v18 =	vld [tilespmem:s19+$0x197C0]  }
0x1a9: {  	v3 =	vadd.s32 $0x186A0, v3;
	v19 =	vld [tilespmem:s19+$0x197D0]  }
0x1aa: {  	v0 =	vadd.f32 v1, v0;
	v6 =	vshrl.u32 v2, $0x11;
	v20 =	vld [tilespmem:s19+$0x197E0]  }
0x1ab: {  	v21 =	vshrl.u32 v16, $0x11;
	v15 =	vld [tilespmem:s19+$0x197F0]  }
0x1ac: {  	v22 =	vshrl.u32 v17, $0x11;
	v13 =	vld [tilespmem:s19+$0x19800];
	[tilespmem:s10+$0x1B870] =	vst v0;
	s10 =	smov.u32 s19  }
0x1ad: {  	v0 =	vld.idx.msk [tilespmem:v4+s2+$0x0], $0xffff;
	v23 =	vshrl.u32 v18, $0x11  }
0x1ae: {  	v1 =	vld.idx.msk [tilespmem:v3+s2+$0x0], $0xffff;
	v24 =	vshrl.u32 v19, $0x11  }
0x1af: {  	v25 =	vshrl.u32 v20, $0x11;
	v11 =	vld [tilespmem:s10+$0x19810]  }
0x1b0: {  	v26 =	vshrl.u32 v15, $0x11;
	v9 =	vld [tilespmem:s10+$0x19820]  }
0x1b1: {  	v27 =	vshrl.u32 v13, $0x11;
	v7 =	vld [tilespmem:s10+$0x19830]  }
0x1b2: {  	v4 =	vand.u32 $0x1FFFF, v2;
	v5 =	vld [tilespmem:s10+$0x19840]  }
0x1b3: {  	v6 =	vadd.s32 $0x186A0, v6;
	v3 =	vld [tilespmem:s10+$0x19850]  }
0x1b4: {  	v1 =	vadd.f32 v1, v0;
	v14 =	vshrl.u32 v11, $0x11;
	v2 =	vld [tilespmem:s10+$0x19860]  }
0x1b5: {  	v12 =	vshrl.u32 v9, $0x11;
	v0 =	vld [tilespmem:s10+$0x19870]  }
0x1b6: {  	[tilespmem:s10+$0x1B780] =	vst v1;
	v10 =	vshrl.u32 v7, $0x11  }
0x1b7: {  	v28 =	vld.idx.msk [tilespmem:v4+s2+$0x0], $0xffff;
	v8 =	vshrl.u32 v5, $0x11  }
0x1b8: {  	v29 =	vld.idx.msk [tilespmem:v6+s2+$0x0], $0xffff;
	v6 =	vshrl.u32 v3, $0x11  }
0x1b9: {  	v4 =	vshrl.u32 v2, $0x11  }
0x1ba: {  	v1 =	vshrl.u32 v0, $0x11;
	_ =	sdelay $0x1  }
0x1bb: {  	v16 =	vand.u32 $0x1FFFF, v16  }
0x1bc: {  	v21 =	vadd.s32 $0x186A0, v21  }
0x1bd: {  	v28 =	vadd.f32 v29, v28;
	_ =	sdelay $0x1  }
0x1be: {  	[tilespmem:s10+$0x1B790] =	vst v28  }
0x1bf: {  	v16 =	vld.idx.msk [tilespmem:v16+s2+$0x0], $0xffff  }
0x1c0: {  	v21 =	vld.idx.msk [tilespmem:v21+s2+$0x0], $0xffff;
	_ =	sdelay $0x3  }
0x1c1: {  	v17 =	vand.u32 $0x1FFFF, v17  }
0x1c2: {  	v22 =	vadd.s32 $0x186A0, v22  }
0x1c3: {  	v16 =	vadd.f32 v21, v16;
	_ =	sdelay $0x1  }
0x1c4: {  	[tilespmem:s10+$0x1B7A0] =	vst v16  }
0x1c5: {  	v16 =	vld.idx.msk [tilespmem:v17+s2+$0x0], $0xffff  }
0x1c6: {  	v17 =	vld.idx.msk [tilespmem:v22+s2+$0x0], $0xffff;
	_ =	sdelay $0x3  }
0x1c7: {  	v18 =	vand.u32 $0x1FFFF, v18  }
0x1c8: {  	v21 =	vadd.s32 $0x186A0, v23  }
0x1c9: {  	v16 =	vadd.f32 v17, v16;
	_ =	sdelay $0x1  }
0x1ca: {  	[tilespmem:s10+$0x1B7B0] =	vst v16  }
0x1cb: {  	v16 =	vld.idx.msk [tilespmem:v18+s2+$0x0], $0xffff  }
0x1cc: {  	v17 =	vld.idx.msk [tilespmem:v21+s2+$0x0], $0xffff;
	_ =	sdelay $0x3  }
0x1cd: {  	v18 =	vand.u32 $0x1FFFF, v19  }
0x1ce: {  	v19 =	vadd.s32 $0x186A0, v24  }
0x1cf: {  	v16 =	vadd.f32 v17, v16;
	_ =	sdelay $0x1  }
0x1d0: {  	[tilespmem:s10+$0x1B7C0] =	vst v16  }
0x1d1: {  	v16 =	vld.idx.msk [tilespmem:v18+s2+$0x0], $0xffff  }
0x1d2: {  	v17 =	vld.idx.msk [tilespmem:v19+s2+$0x0], $0xffff;
	_ =	sdelay $0x3  }
0x1d3: {  	v18 =	vand.u32 $0x1FFFF, v20  }
0x1d4: {  	v19 =	vadd.s32 $0x186A0, v25  }
0x1d5: {  	v16 =	vadd.f32 v17, v16;
	_ =	sdelay $0x1  }
0x1d6: {  	[tilespmem:s10+$0x1B7D0] =	vst v16  }
0x1d7: {  	v16 =	vld.idx.msk [tilespmem:v18+s2+$0x0], $0xffff  }
0x1d8: {  	v17 =	vld.idx.msk [tilespmem:v19+s2+$0x0], $0xffff;
	_ =	sdelay $0x3  }
0x1d9: {  	v15 =	vand.u32 $0x1FFFF, v15  }
0x1da: {  	v18 =	vadd.s32 $0x186A0, v26  }
0x1db: {  	v16 =	vadd.f32 v17, v16;
	_ =	sdelay $0x1  }
0x1dc: {  	[tilespmem:s10+$0x1B7E0] =	vst v16  }
0x1dd: {  	v15 =	vld.idx.msk [tilespmem:v15+s2+$0x0], $0xffff  }
0x1de: {  	v16 =	vld.idx.msk [tilespmem:v18+s2+$0x0], $0xffff;
	_ =	sdelay $0x3  }
0x1df: {  	v13 =	vand.u32 $0x1FFFF, v13  }
0x1e0: {  	v17 =	vadd.s32 $0x186A0, v27  }
0x1e1: {  	v15 =	vadd.f32 v16, v15;
	_ =	sdelay $0x1  }
0x1e2: {  	[tilespmem:s10+$0x1B7F0] =	vst v15  }
0x1e3: {  	v13 =	vld.idx.msk [tilespmem:v13+s2+$0x0], $0xffff  }
0x1e4: {  	v15 =	vld.idx.msk [tilespmem:v17+s2+$0x0], $0xffff;
	_ =	sdelay $0x3  }
0x1e5: {  	v11 =	vand.u32 $0x1FFFF, v11  }
0x1e6: {  	v14 =	vadd.s32 $0x186A0, v14  }
0x1e7: {  	v13 =	vadd.f32 v15, v13;
	_ =	sdelay $0x1  }
0x1e8: {  	[tilespmem:s10+$0x1B800] =	vst v13  }
0x1e9: {  	v11 =	vld.idx.msk [tilespmem:v11+s2+$0x0], $0xffff  }
0x1ea: {  	v13 =	vld.idx.msk [tilespmem:v14+s2+$0x0], $0xffff;
	_ =	sdelay $0x3  }
0x1eb: {  	v9 =	vand.u32 $0x1FFFF, v9  }
0x1ec: {  	v12 =	vadd.s32 $0x186A0, v12  }
0x1ed: {  	v11 =	vadd.f32 v13, v11;
	_ =	sdelay $0x1  }
0x1ee: {  	[tilespmem:s10+$0x1B810] =	vst v11  }
0x1ef: {  	v9 =	vld.idx.msk [tilespmem:v9+s2+$0x0], $0xffff  }
0x1f0: {  	v11 =	vld.idx.msk [tilespmem:v12+s2+$0x0], $0xffff;
	_ =	sdelay $0x3  }
0x1f1: {  	v7 =	vand.u32 $0x1FFFF, v7  }
0x1f2: {  	v10 =	vadd.s32 $0x186A0, v10  }
0x1f3: {  	v9 =	vadd.f32 v11, v9;
	_ =	sdelay $0x1  }
0x1f4: {  	[tilespmem:s10+$0x1B820] =	vst v9  }
0x1f5: {  	v7 =	vld.idx.msk [tilespmem:v7+s2+$0x0], $0xffff  }
0x1f6: {  	v9 =	vld.idx.msk [tilespmem:v10+s2+$0x0], $0xffff;
	_ =	sdelay $0x3  }
0x1f7: {  	v5 =	vand.u32 $0x1FFFF, v5  }
0x1f8: {  	v8 =	vadd.s32 $0x186A0, v8  }
0x1f9: {  	v7 =	vadd.f32 v9, v7;
	_ =	sdelay $0x1  }
0x1fa: {  	[tilespmem:s10+$0x1B830] =	vst v7  }
0x1fb: {  	v5 =	vld.idx.msk [tilespmem:v5+s2+$0x0], $0xffff  }
0x1fc: {  	v7 =	vld.idx.msk [tilespmem:v8+s2+$0x0], $0xffff;
	_ =	sdelay $0x3  }
0x1fd: {  	v3 =	vand.u32 $0x1FFFF, v3  }
0x1fe: {  	v6 =	vadd.s32 $0x186A0, v6  }
0x1ff: {  	v5 =	vadd.f32 v7, v5;
	_ =	sdelay $0x1  }
0x200: {  	[tilespmem:s10+$0x1B840] =	vst v5  }
0x201: {  	v3 =	vld.idx.msk [tilespmem:v3+s2+$0x0], $0xffff  }
0x202: {  	v5 =	vld.idx.msk [tilespmem:v6+s2+$0x0], $0xffff;
	_ =	sdelay $0x3  }
0x203: {  	v2 =	vand.u32 $0x1FFFF, v2  }
0x204: {  	v4 =	vadd.s32 $0x186A0, v4  }
.Ltmp9:
0x205: {  	v3 =	vadd.f32 v5, v3;
	(pc) =	sbr.rel @p0 .LBB2_16-.Ltmp9, $4  }
0x206: {  	_ = 	snop  }
0x207: {  	[tilespmem:s10+$0x1B850] =	vst v3  }
0x208: {  	v2 =	vld.idx.msk [tilespmem:v2+s2+$0x0], $0xffff  }
0x209: {  	v3 =	vld.idx.msk [tilespmem:v4+s2+$0x0], $0xffff  }
0x20a: {  	_ =	sdelay $0x1  }
0x20b: {  	v1 =	vadd.s32 $0x186A0, v1  }
0x20c: {  	v0 =	vand.u32 $0x1FFFF, v0  }
0x20d: {  	v2 =	vadd.f32 v3, v2;
	_ =	sdelay $0x1  }
0x20e: {  	[tilespmem:s10+$0x1B860] =	vst v2  }
0x20f: {  	v1 =	vld.idx.msk [tilespmem:v1+s2+$0x0], $0xffff  }
0x210: {  	v0 =	vld.idx.msk [tilespmem:v0+s2+$0x0], $0xffff;
	_ =	sdelay $0x1  }
0x211: {  	p0 =	sne.s32 s31, $0x24  }
.Ltmp10:
0x212: {  	_ = 	snop;
	(pc) =	sbr.rel @p0 .LBB2_21-.Ltmp10, $3  }
0x213: {  	_ = 	snop  }
0x214: {  	v0 =	vadd.f32 v1, v0;
	_ =	sdelay $0x1  }
0x215: {  	[tilespmem:s10+$0x1B870] =	vst v0  }
0x216: {  	[tilespmem:s2], [sflag:$0x5] =	stream.strided.gather [hbm4b:s16+s21], $0x18680, s22, s21, $0x38;
	[tilespmem:$0x1C780] =	vst v63  }
0x217: {  	_ =	swait.ge [sflag:s23], $0x18680  }
0x218: {  	[sflag:s23] =	ssyncset.done $0x0  }
0x219: {  	[sflag:s23] =	ssyncadd.s32 $0xFFFE7980  }
0x21a: {  	[tilespmem:s24], [sflag:$0x5] =	stream.strided.gather [hbm4b:s17+s21], $0x100, s22, s21, $0x38;
	[tilespmem:$0x1C780] =	vst v63  }
0x21b: {  	_ =	swait.ge [sflag:s23], $0x100  }
0x21c: {  	[sflag:s23] =	ssyncset.done $0x0  }
0x21d: {  	s12 =	simm.s32 $0x3E0;
	[sflag:s23] =	ssyncadd.s32 $0xFFFFFF00  }
0x21e: {  	v0 =	vld [tilespmem:s12+$0x19780];
	_ =	sdelay $0x4  }
0x21f: {  	v1 =	vshrl.u32 v0, $0x11  }
0x220: {  	v1 =	vadd.s32 $0x186A0, v1  }
0x221: {  	v2 =	vand.u32 $0x1FFFF, v0;
	_ =	sdelay $0x1  }
0x222: {  	s10 =	simm.s32 $0x3F0  }
0x223: {  	s19 =	simm.s32 $0x1000;
	v0 =	vld [tilespmem:s10+$0x19780]  }
.LBB2_19:
0x224: {  	p0 =	sne.s32 s19, $0x3FC0;
	v3 =	vld.idx.msk [tilespmem:v1+s2+$0x0], $0xffff  }
0x225: {  	v4 =	vld.idx.msk [tilespmem:v2+s2+$0x0], $0xffff;
	_ =	sdelay $0x2  }
0x226: {  	v1 =	vshrl.u32 v0, $0x11  }
.Ltmp11:
0x227: {  	v1 =	vadd.s32 $0x186A0, v1;
	(pc) =	sbr.rel @p0 .LBB2_19-.Ltmp11, $4  }
0x228: {  	v2 =	vand.u32 $0x1FFFF, v0  }
0x229: {  	v3 =	vadd.f32 v3, v4  }
0x22a: {  	s20 =	sshra.s32 s19, $0x2  }
0x22b: {  	s19 =	sadd.s32 $0x40, s19;
	v0 =	vld [tilespmem:s20+$0x19780];
	[tilespmem:s12+$0x1B780] =	vst v3;
	s12 =	smov.u32 s10;
	s10 =	smov.u32 s20  }
0x22c: {  	_ =	sdelay $0x3  }
0x22d: {  	v1 =	vld.idx.msk [tilespmem:v1+s2+$0x0], $0xffff  }
0x22e: {  	v2 =	vld.idx.msk [tilespmem:v2+s2+$0x0], $0xffff;
	_ =	sdelay $0x2  }
0x22f: {  	v3 =	vshrl.u32 v0, $0x11;
	v63 =	vand.u32 $0x1FFFF, v0  }
0x230: {  	v3 =	vadd.s32 $0x186A0, v3  }
0x231: {  	v1 =	vadd.f32 v1, v2;
	_ =	sdelay $0x1  }
0x232: {  	[tilespmem:s12+$0x1B780] =	vst v1  }
0x233: {  	v0 =	vld.idx.msk [tilespmem:v63+s2+$0x0], $0xffff  }
0x234: {  	v1 =	vld.idx.msk [tilespmem:v3+s2+$0x0], $0xffff;
	_ =	sdelay $0x4  }
0x235: {  	v0 =	vadd.f32 v1, v0;
	_ =	sdelay $0x1  }
0x236: {  	[tilespmem:s10+$0x1B780] =	vst v0  }
.LBB2_21:
.Ltmp12:
0x237: {  	p0 =	sgt.u32 s1, $0x60;
	(pc) =	sbr.rel @p1 .LBB2_23-.Ltmp12, $4  }
0x238: {  	s1 =	sadd.s32 @!p0 s9, s11  }
0x239: {  	s1 =	sshrl.u32 @!p0 s1, $0x3  }
0x23a: {  	s10 =	simm.s32 @!p0 $0x0;
	s11 =	simm.s32 @!p0 $0x1B780;
	s1 =	sadd.s32 @!p0 s7, s1  }
0x23b: {  	[hbm4b:s1+s10] =	stream.linear.scatter @!p0 [tilespmem:s11], [sflag:$0x4], $0x1000, $0x38;
	[tilespmem:$0x1C780] =	vst v63  }
.Ltmp13:
0x23c: {  	(pc) =	sbr.rel .LBB2_2-.Ltmp13, $4  }
0x23d: {  	_ = 	snop  }
0x23e: {  	s1 =	sshll.u32 s31, $0xA  }
0x23f: {  	s31 =	sadd.s32 $0x1, s31;
	s1 =	sadd.s32 s1, s18  }
0x240: {  	[tilespmem:s26], [sflag:$0x2] =	stream.linear.gather [hbm4b:s1+s2], $0x1000, $0x38;
	[tilespmem:$0x1C780] =	vst v63  }
.LBB2_9:
.Ltmp14:
0x241: {  	(pc) =	sbr.rel .LBB2_14-.Ltmp14, $2  }
0x242: {  	_ =	sdelay $0x2  }
0x243: {  	_ = 	snop  }
.LBB2_11:
.Ltmp15:
0x244: {  	(pc) =	sbr.rel .LBB2_14-.Ltmp15, $2  }
0x245: {  	_ =	sdelay $0x2  }
0x246: {  	s19 =	smov.u32 s10;
	s10 =	smov.u32 s12  }
.LBB2_24:
0x247: {  	_ =	sfence.sel $0x180000  }
0x248: {  	[bflag:$0x0] =	sbarrier.arrive $0xFFFF  }
0x249: {  	_ =	strace $0x90000047  }
0x24a: {  	s0 =	stileid.u32;
	[bflag:$0x2] =	sbarrier.arrive $0xFFFF  }
0x24b: {  	p0 =	sne.s32 s0, $0x0;
	s0 =	rddreg [dreg:$0x2]  }
0x24c: {  	s0 =	sadd.s32 @!p0 $0x100000, s0  }
0x24d: {  	[sflag:s0] =	ssyncadd.tile.s32 @!p0 $0x1;
	_ =	shalt  }
.Lfunc_end2:
_tile_overlayer_lowered:
.L_overlay_start_2:
0x24e: {  	(tag) =	ssettag $0x2  }
0x24f: {  	s0 =	rddreg [dreg:$0x0];
	s2 =	stileid.u32  }
0x250: {  	s1 =	rddreg [dreg:$0x1];
	p0 =	sne.s32 s2, $0x0  }
0x251: {  	s3 =	rddreg [dreg:$0x2];
	[bflag:$0x3] =	sbarrier.arrive $0xFFFF;
	s2 =	simm.s32 @!p0 $0x1C05  }
0x252: {  	[timem:s3], [sflag:s2] =	dma.local @!p0 [hbm:s0], s1  }
0x253: {  	s0 =	simm.s32 @!p0 $0x5  }
0x254: {  	_ =	swait.ge @!p0 [sflag:s0], s1  }
0x255: {  	s1 =	ssub.s32 @!p0 $0x0, s1;
	[sflag:s0] =	ssyncset.done @!p0 $0x0  }
0x256: {  	[sflag:s0] =	ssyncadd.s32 @!p0 s1  }
0x257: {  	[bflag:$0x3] =	sbarrier.arrive $0xFFFF  }
0x258: {  	_ =	shalt  }

</sc_bundles>
